<compile_context>
chip_gen: v7x
topology: tpu7x:2x2x1
jax: 0.10.2.dev20260603
libtpu: 0.0.44.dev20260713+nightly
codegen_flags: <defaults>
</compile_context>

<pallas_src>
import functools

import jax
import jax.numpy as jnp
from jax import lax
from jax.experimental import pallas as pl
from jax.experimental.pallas import tpu as pltpu
from jax.experimental.pallas import tpu_sc as plsc

H, W = 1024, 1024
NC, NS, L = 2, 16, 16
NW = NC * NS
BAND = (H * W) // NW
NPAD = 2 ** 21
P = 8192
CB = 1024
S = 8192


def _proj_body(p0_ref, p1_ref, p2_ref, flat_ref, depth_ref):
    p0 = p0_ref[...]
    p1 = p1_ref[...]
    p2 = p2_ref[...]
    d = p2 + 1e-8
    px = jnp.floor(p0 / d).astype(jnp.int32)
    py = jnp.floor(p1 / d).astype(jnp.int32)
    valid = (px >= 0) & (px < W) & (py >= 0) & (py < H) & (p2 > 0)
    flat_ref[...] = jnp.where(valid, py * W + px, H * W)
    depth_ref[...] = jnp.where(valid, p2, jnp.inf)


def _project(p0, p1, p2):
    n = p0.shape[0]
    bn = 131072
    return pl.pallas_call(
        _proj_body,
        grid=(n // bn,),
        in_specs=[
            pl.BlockSpec((bn,), lambda i: (i,)),
            pl.BlockSpec((bn,), lambda i: (i,)),
            pl.BlockSpec((bn,), lambda i: (i,)),
        ],
        out_specs=[
            pl.BlockSpec((bn,), lambda i: (i,)),
            pl.BlockSpec((bn,), lambda i: (i,)),
        ],
        out_shape=[
            jax.ShapeDtypeStruct((n,), jnp.int32),
            jax.ShapeDtypeStruct((n,), jnp.float32),
        ],
    )(p0, p1, p2)


def _zbuffer_call(n):
    mesh = plsc.VectorSubcoreMesh(
        core_axis_name="c", subcore_axis_name="s", num_cores=NC, num_subcores=NS
    )

    @functools.partial(
        pl.kernel,
        out_type=jax.ShapeDtypeStruct((3, H * W), jnp.float32),
        mesh=mesh,
        scratch_types=[
            pltpu.VMEM((P,), jnp.int32),
            pltpu.VMEM((P,), jnp.float32),
            pltpu.VMEM((BAND,), jnp.float32),
            pltpu.VMEM((BAND // CB, CB), jnp.int32),
            pltpu.VMEM((3, CB), jnp.float32),
            pltpu.VMEM((S,), jnp.int32),
            pltpu.VMEM((S,), jnp.float32),
            pltpu.VMEM((S,), jnp.int32),
            pltpu.SemaphoreType.DMA,
        ],
        compiler_params=pltpu.CompilerParams(
            needs_layout_passes=False, use_tc_tiling_on_sc=False
        ),
    )
    def zkern(flat_hbm, depth_hbm, colp_hbm, out_hbm, fbuf, dbuf, zbuf, widx,
              cbuf, sli, sdp, sgi, sem):
        c = lax.axis_index("c")
        s = lax.axis_index("s")
        wid = s * NC + c
        lo = wid * BAND
        hi = lo + BAND
        iot = lax.iota(jnp.int32, L)

        def init_i(i, carry):
            zbuf[pl.ds(i * L, L)] = jnp.full((L,), jnp.inf, jnp.float32)
            widx[(i * L) // CB, pl.ds((i * L) % CB, L)] = jnp.full((L,), n, jnp.int32)
            return carry

        lax.fori_loop(0, BAND // L, init_i, 0)

        def drain(cnt):
            nv = (cnt + (L - 1)) // L

            def dbody(j, carry):
                mm = iot < (cnt - j * L)
                li = sli[pl.ds(j * L, L)] & (BAND - 1)
                dp = sdp[pl.ds(j * L, L)]
                gi = sgi[pl.ds(j * L, L)]
                cur = plsc.load_gather(zbuf, [li])
                win0 = (dp < cur) & mm

                def wcond(cr):
                    return plsc.all_reduce_population_count(cr[0])[0] > 0

                def wbody(cr):
                    wn, _ = cr
                    plsc.store_scatter(zbuf, [li], dp, mask=wn)
                    cur2 = plsc.load_gather(zbuf, [li])
                    return (dp < cur2) & mm, cur2

                _, curf = lax.while_loop(wcond, wbody, (win0, cur))
                fw = (dp == curf) & mm
                plsc.store_scatter(widx, [li // CB, li & (CB - 1)], gi, mask=fw)
                return carry

            lax.fori_loop(0, nv, dbody, 0)

        def chunk_body(ci, carry):
            base = ci * P
            pltpu.sync_copy(flat_hbm.at[pl.ds(base, P)], fbuf)
            pltpu.sync_copy(depth_hbm.at[pl.ds(base, P)], dbuf)

            def vec_body(j, cnt2):
                fl = fbuf[pl.ds(j * L, L)]
                dp = dbuf[pl.ds(j * L, L)]
                li = fl - lo
                m = li.astype(jnp.uint32) < jnp.uint32(BAND)
                gi = (base + j * L) + iot
                plsc.store_compressed(sli.at[pl.ds(cnt2, L)], li, mask=m)
                plsc.store_compressed(sdp.at[pl.ds(cnt2, L)], dp, mask=m)
                plsc.store_compressed(sgi.at[pl.ds(cnt2, L)], gi, mask=m)
                return cnt2 + plsc.all_reduce_population_count(m)[0]

            cnt = plsc.parallel_loop(0, P // L, 1, unroll=8, carry=jnp.int32(0))(
                lambda j, cnt2: vec_body(j, cnt2)
            )
            drain(cnt)
            return carry

        lax.fori_loop(0, NPAD // P, chunk_body, 0)

        def col_body(k, carry):
            d0 = pltpu.async_copy(colp_hbm.at[0].at[widx.at[k]], cbuf.at[0], sem)
            d1 = pltpu.async_copy(colp_hbm.at[1].at[widx.at[k]], cbuf.at[1], sem)
            d2 = pltpu.async_copy(colp_hbm.at[2].at[widx.at[k]], cbuf.at[2], sem)
            d0.wait()
            d1.wait()
            d2.wait()
            pltpu.sync_copy(cbuf.at[0], out_hbm.at[0].at[pl.ds(lo + k * CB, CB)])
            pltpu.sync_copy(cbuf.at[1], out_hbm.at[1].at[pl.ds(lo + k * CB, CB)])
            pltpu.sync_copy(cbuf.at[2], out_hbm.at[2].at[pl.ds(lo + k * CB, CB)])
            return carry

        lax.fori_loop(0, BAND // CB, col_body, 0)

    return zkern


def kernel(points, colors, extrinsic, intrinsic):
    n = points.shape[0]
    positions = jnp.concatenate([points, jnp.ones((n, 1), points.dtype)], axis=1)
    inv_ext = jnp.linalg.inv(extrinsic)
    proj = (intrinsic @ (inv_ext[0:3] @ positions.T)).T
    pad = NPAD - n
    projp = jnp.pad(proj, ((0, pad), (0, 0)))
    flat, depth = _project(projp[:, 0], projp[:, 1], projp[:, 2])
    colp = jnp.concatenate([colors, jnp.ones((1, 3), jnp.float32)], axis=0).T
    img3 = _zbuffer_call(n)(flat, depth, colp)
    return img3.T.reshape(H, W, 3)

# --- scband reference (transcript-rebuilt; emitter-appended) ---
"""Pipeline reference for scband-projection-52175262711987 (READ-ONLY COPY).

The authoritative reference and input builder live on the scoring server;
editing this copy changes nothing except your own understanding.
"""

import jax, jax.numpy as jnp
import numpy as np

H, W = 1024, 1024
N = 2000000


def setup_inputs(seed: int = 0) -> dict:
    key = jax.random.key(seed)
    k1, k2, k3, k4, k5 = jax.random.split(key, 5)
    z = jax.random.uniform(k1, (N,), minval=1.0, maxval=10.0)
    ux = jax.random.uniform(k2, (N,), minval=-0.9, maxval=0.9)
    uy = jax.random.uniform(k3, (N,), minval=-0.9, maxval=0.9)
    points = jnp.stack([ux * z, uy * z, z], axis=1).astype(jnp.float32)
    colors = jax.random.uniform(k4, (N, 3), dtype=jnp.float32)
    extrinsic = (jnp.eye(4) + 0.001 * jax.random.normal(k5, (4, 4))).astype(jnp.float32)
    f = 512.0
    intrinsic = jnp.array([[f, 0.0, W / 2.0], [0.0, f, H / 2.0], [0.0, 0.0, 1.0]], dtype=jnp.float32)
    return {"points": points, "colors": colors, "extrinsic": extrinsic, "intrinsic": intrinsic}


def reference(points, colors, extrinsic, intrinsic):
    # Faithful z-buffer projection: transform points by inverse extrinsic,
    # project with intrinsic, floor to pixel coords, frustum-mask (via dummy
    # slot instead of dynamic filtering for jit-ability), then per-pixel
    # depth-argmin (scatter-min z-buffer) selects the color written to image.
    n = points.shape[0]
    positions = jnp.concatenate([points, jnp.ones((n, 1), dtype=points.dtype)], axis=1)  # [N,4]
    inv_ext = jnp.linalg.inv(extrinsic)
    proj = (intrinsic @ (inv_ext[0:3] @ positions.T)).T  # [N,3]
    depth = proj[:, 2]
    xy = proj[:, 0:2] / (depth[:, None] + 1e-8)
    px = jnp.floor(xy[:, 0]).astype(jnp.int32)
    py = jnp.floor(xy[:, 1]).astype(jnp.int32)
    valid = (px >= 0) & (px < W) & (py >= 0) & (py < H) & (depth > 0)
    flat = py * W + px
    flat = jnp.where(valid, flat, H * W)  # dummy overflow slot
    depth_m = jnp.where(valid, depth, jnp.inf)
    # scatter-min z-buffer over flattened pixel grid (+1 dummy slot)
    zbuf = jnp.full((H * W + 1,), jnp.inf, dtype=depth.dtype).at[flat].min(depth_m)
    is_winner = (depth_m == zbuf[flat]) & valid
    flat_w = jnp.where(is_winner, flat, H * W)
    image = jnp.ones((H * W + 1, 3), dtype=colors.dtype).at[flat_w].set(colors)
    return image[: H * W].reshape(H, W, 3)

if __name__ == "__main__":
    import jax
    _d = setup_inputs()
    print(jax.jit(kernel)(*tuple(_d.values())))

</pallas_src>

<mosaic_0001>
#map = affine_map<(d0, d1) -> (0)>
#map1 = affine_map<(d0, d1) -> (0, 0)>
module attributes {stable_mosaic.version = 14 : i64} {
  func.func @zkern(%arg0: i32, %arg1: i32, %arg2: memref<2097152xi32, #tpu.memory_space<hbm>>, %arg3: memref<2097152xf32, #tpu.memory_space<hbm>>, %arg4: memref<3x2000001xf32, #tpu.memory_space<hbm>>, %arg5: memref<3x1048576xf32, #tpu.memory_space<hbm>>, %arg6: memref<8192xi32, #tpu.memory_space<vmem>>, %arg7: memref<8192xf32, #tpu.memory_space<vmem>>, %arg8: memref<32768xf32, #tpu.memory_space<vmem>>, %arg9: memref<32x1024xi32, #tpu.memory_space<vmem>>, %arg10: memref<3x1024xf32, #tpu.memory_space<vmem>>, %arg11: memref<8192xi32, #tpu.memory_space<vmem>>, %arg12: memref<8192xf32, #tpu.memory_space<vmem>>, %arg13: memref<8192xi32, #tpu.memory_space<vmem>>, %arg14: memref<!tpu.dma_semaphore, #tpu.memory_space<semaphore_mem>>) attributes {dimension_semantics = [#tpu.dimension_semantics<core_parallel>, #tpu.dimension_semantics<subcore_parallel>], iteration_bounds = array<i64: 2, 16>, scalar_prefetch = 0 : i64, scratch_operands = 9 : i64, tpu.core_type = #tpu.core_type<sc_vector_subcore>, window_params = [{transform_indices = #map}, {transform_indices = #map}, {transform_indices = #map1}, {transform_indices = #map1}]} {
    %mul3A = arith.constant 2 : i32
    %mul3A_0 = arith.muli %arg1, %mul3A : i32
    %add3A = arith.addi %mul3A_0, %arg0 : i32
    %mul3A_1 = arith.constant 32768 : i32
    %mul3A_2 = arith.muli %add3A, %mul3A_1 : i32
    %add3A_3 = arith.constant 32768 : i32
    %add3A_4 = arith.addi %mul3A_2, %add3A_3 : i32
    %iota3A = tpu.iota {dimensions = array<i32: 0>} : vector<16xi32>
    %scan3A = arith.constant 0 : i32
    %scan3A_5 = arith.constant 0 : i32
    %scan3A_6 = arith.constant 2048 : i32
    %scan3A_7 = arith.addi %scan3A_5, %scan3A_6 : i32
    %scan3A_8 = arith.constant 1 : i32
    scf.for %scan3A_22 = %scan3A_5 to %scan3A_7 step %scan3A_8  : i32 {
      %broadcast_in_dim3A = arith.constant 0x7F800000 : f32
      %broadcast_in_dim3A_23 = vector.broadcast %broadcast_in_dim3A : f32 to vector<16xf32>
      %mul3A_24 = arith.constant 16 : i32
      %mul3A_25 = arith.muli %scan3A_22, %mul3A_24 : i32
      %swap3A = arith.index_cast %mul3A_25 : i32 to index
      %swap3A_26 = tpu.vector_load %arg8[%swap3A] {strides = array<i32>} : memref<32768xf32, #tpu.memory_space<vmem>>, vector<16xf32>,
      tpu.vector_store %arg8[%swap3A], %broadcast_in_dim3A_23 {strides = array<i32>} : memref<32768xf32, #tpu.memory_space<vmem>>, vector<16xf32>,
      %broadcast_in_dim3A_27 = arith.constant 2000000 : i32
      %broadcast_in_dim3A_28 = vector.broadcast %broadcast_in_dim3A_27 : i32 to vector<16xi32>
      %mul3A_29 = arith.constant 16 : i32
      %mul3A_30 = arith.muli %scan3A_22, %mul3A_29 : i32
      %jit3A = arith.constant 1024 : i32
      %div3A = arith.divsi %mul3A_30, %jit3A : i32
      %sign3A = arith.constant 0 : i32
      %sign3A_31 = arith.cmpi sgt, %mul3A_30, %sign3A : i32
      %sign3A_32 = arith.extui %sign3A_31 : i1 to i32
      %sign3A_33 = arith.constant 0 : i32
      %sign3A_34 = arith.cmpi slt, %mul3A_30, %sign3A_33 : i32
      %sign3A_35 = arith.extui %sign3A_34 : i1 to i32
      %sign3A_36 = arith.subi %sign3A_32, %sign3A_35 : i32
      %sign3A_37 = arith.constant 0 : i32
      %sign3A_38 = arith.cmpi sgt, %jit3A, %sign3A_37 : i32
      %sign3A_39 = arith.extui %sign3A_38 : i1 to i32
      %sign3A_40 = arith.constant 0 : i32
      %sign3A_41 = arith.cmpi slt, %jit3A, %sign3A_40 : i32
      %sign3A_42 = arith.extui %sign3A_41 : i1 to i32
      %sign3A_43 = arith.subi %sign3A_39, %sign3A_42 : i32
      %ne3A = arith.cmpi ne, %sign3A_36, %sign3A_43 : i32
      %rem3A = arith.remsi %mul3A_30, %jit3A : i32
      %ne3A_44 = arith.constant 0 : i32
      %ne3A_45 = arith.cmpi ne, %rem3A, %ne3A_44 : i32
      %and3A = arith.andi %ne3A, %ne3A_45 : i1
      %sub3A = arith.constant 1 : i32
      %sub3A_46 = arith.subi %div3A, %sub3A : i32
      %select_n3A = arith.select %and3A, %sub3A_46, %div3A : i32
      %mul3A_47 = arith.constant 16 : i32
      %mul3A_48 = arith.muli %scan3A_22, %mul3A_47 : i32
      %jit3A_49 = arith.constant 1024 : i32
      %eq3A = arith.constant 0 : i32
      %eq3A_50 = arith.cmpi eq, %jit3A_49, %eq3A : i32
      %jit3A_51 = arith.constant 1 : i32
      %select_n3A_52 = arith.select %eq3A_50, %jit3A_51, %jit3A_49 : i32
      %rem3A_53 = arith.remsi %mul3A_48, %select_n3A_52 : i32
      %ne3A_54 = arith.constant 0 : i32
      %ne3A_55 = arith.cmpi ne, %rem3A_53, %ne3A_54 : i32
      %lt3A = arith.constant 0 : i32
      %lt3A_56 = arith.cmpi slt, %rem3A_53, %lt3A : i32
      %lt3A_57 = arith.constant 0 : i32
      %lt3A_58 = arith.cmpi slt, %select_n3A_52, %lt3A_57 : i32
      %ne3A_59 = arith.xori %lt3A_56, %lt3A_58 : i1
      %and3A_60 = arith.andi %ne3A_59, %ne3A_55 : i1
      %add3A_61 = arith.addi %rem3A_53, %select_n3A_52 : i32
      %select_n3A_62 = arith.select %and3A_60, %add3A_61, %rem3A_53 : i32
      %swap3A_63 = arith.index_cast %select_n3A : i32 to index
      %swap3A_64 = arith.index_cast %select_n3A_62 : i32 to index
      %swap3A_65 = tpu.vector_load %arg9[%swap3A_63, %swap3A_64] {strides = array<i32>} : memref<32x1024xi32, #tpu.memory_space<vmem>>, vector<16xi32>,
      tpu.vector_store %arg9[%swap3A_63, %swap3A_64], %broadcast_in_dim3A_28 {strides = array<i32>} : memref<32x1024xi32, #tpu.memory_space<vmem>>, vector<16xi32>,
    }
    %scan3A_9 = arith.constant 2048 : i32
    %scan3A_10 = arith.constant 0 : i32
    %scan3A_11 = arith.constant 0 : i32
    %scan3A_12 = arith.constant 256 : i32
    %scan3A_13 = arith.addi %scan3A_11, %scan3A_12 : i32
    %scan3A_14 = arith.constant 1 : i32
    scf.for %scan3A_22 = %scan3A_11 to %scan3A_13 step %scan3A_14  : i32 {
      %mul3A_23 = arith.constant 8192 : i32
      %mul3A_24 = arith.muli %scan3A_22, %mul3A_23 : i32
      "tpu.region"() ({
        %run_scoped3A = tpu.sem_alloc : memref<!tpu.dma_semaphore, #tpu.memory_space<semaphore_mem>>
        %dma_start3A = tpu.memref_slice %arg2[%mul3A_24] : memref<2097152xi32, #tpu.memory_space<hbm>> -> memref<8192xi32, #tpu.memory_space<hbm>>
        %dma_start3A_56 = tpu.memref_slice %arg2[%mul3A_24] : memref<2097152xi32, #tpu.memory_space<hbm>> -> memref<8192xi32, #tpu.memory_space<hbm>>
        tpu.enqueue_dma source(%dma_start3A_56 : memref<8192xi32, #tpu.memory_space<hbm>>) target(%arg6 : memref<8192xi32, #tpu.memory_space<vmem>>) target_semaphore(%run_scoped3A : memref<!tpu.dma_semaphore, #tpu.memory_space<semaphore_mem>>)
        %dma_wait3A = tpu.memref_slice %arg2[%mul3A_24] : memref<2097152xi32, #tpu.memory_space<hbm>> -> memref<8192xi32, #tpu.memory_space<hbm>>
        %dma_wait3A_57 = tpu.memref_slice %arg2[%mul3A_24] : memref<2097152xi32, #tpu.memory_space<hbm>> -> memref<8192xi32, #tpu.memory_space<hbm>>
        tpu.wait_dma2 semaphore(%run_scoped3A : memref<!tpu.dma_semaphore, #tpu.memory_space<semaphore_mem>>) src(%dma_wait3A_57 : memref<8192xi32, #tpu.memory_space<hbm>>) dst(%arg6 : memref<8192xi32, #tpu.memory_space<vmem>>)
        tpu.yield
      }) : () -> ()
      "tpu.region"() ({
        %run_scoped3A = tpu.sem_alloc : memref<!tpu.dma_semaphore, #tpu.memory_space<semaphore_mem>>
        %dma_start3A = tpu.memref_slice %arg3[%mul3A_24] : memref<2097152xf32, #tpu.memory_space<hbm>> -> memref<8192xf32, #tpu.memory_space<hbm>>
        %dma_start3A_56 = tpu.memref_slice %arg3[%mul3A_24] : memref<2097152xf32, #tpu.memory_space<hbm>> -> memref<8192xf32, #tpu.memory_space<hbm>>
        tpu.enqueue_dma source(%dma_start3A_56 : memref<8192xf32, #tpu.memory_space<hbm>>) target(%arg7 : memref<8192xf32, #tpu.memory_space<vmem>>) target_semaphore(%run_scoped3A : memref<!tpu.dma_semaphore, #tpu.memory_space<semaphore_mem>>)
        %dma_wait3A = tpu.memref_slice %arg3[%mul3A_24] : memref<2097152xf32, #tpu.memory_space<hbm>> -> memref<8192xf32, #tpu.memory_space<hbm>>
        %dma_wait3A_57 = tpu.memref_slice %arg3[%mul3A_24] : memref<2097152xf32, #tpu.memory_space<hbm>> -> memref<8192xf32, #tpu.memory_space<hbm>>
        tpu.wait_dma2 semaphore(%run_scoped3A : memref<!tpu.dma_semaphore, #tpu.memory_space<semaphore_mem>>) src(%dma_wait3A_57 : memref<8192xf32, #tpu.memory_space<hbm>>) dst(%arg7 : memref<8192xf32, #tpu.memory_space<vmem>>)
        tpu.yield
      }) : () -> ()
      %parallel_loop3A = arith.constant 0 : i32
      %parallel_loop3A_25 = arith.constant 512 : i32
      %parallel_loop3A_26 = arith.constant 1 : i32
      %parallel_loop3A_27 = arith.constant 0 : i32
      %parallel_loop3A_28 = scf.for %parallel_loop3A_56 = %parallel_loop3A to %parallel_loop3A_25 step %parallel_loop3A_26 iter_args(%parallel_loop3A_57 = %parallel_loop3A_27) -> (i32)  : i32 {
        %parallel_loop3A_58 = arith.constant 16 : i32
        %parallel_loop3A_59 = arith.muli %parallel_loop3A_56, %parallel_loop3A_58 : i32
        %parallel_loop3A_60 = arith.index_cast %parallel_loop3A_59 : i32 to index
        %parallel_loop3A_61 = tpu.vector_load %arg6[%parallel_loop3A_60] {strides = array<i32>} : memref<8192xi32, #tpu.memory_space<vmem>>, vector<16xi32>,
        %parallel_loop3A_62 = arith.constant 16 : i32
        %parallel_loop3A_63 = arith.muli %parallel_loop3A_56, %parallel_loop3A_62 : i32
        %parallel_loop3A_64 = arith.index_cast %parallel_loop3A_63 : i32 to index
        %parallel_loop3A_65 = tpu.vector_load %arg7[%parallel_loop3A_64] {strides = array<i32>} : memref<8192xf32, #tpu.memory_space<vmem>>, vector<16xf32>,
        %parallel_loop3A_66 = vector.broadcast %mul3A_2 : i32 to vector<16xi32>
        %parallel_loop3A_67 = arith.subi %parallel_loop3A_61, %parallel_loop3A_66 : vector<16xi32>
        %parallel_loop3A_68 = arith.constant 32768 : i32
        %parallel_loop3A_69 = vector.broadcast %parallel_loop3A_68 : i32 to vector<16xi32>
        %parallel_loop3A_70 = arith.cmpi ult, %parallel_loop3A_67, %parallel_loop3A_69 : vector<16xi32>
        %parallel_loop3A_71 = arith.constant 16 : i32
        %parallel_loop3A_72 = arith.muli %parallel_loop3A_56, %parallel_loop3A_71 : i32
        %parallel_loop3A_73 = arith.addi %mul3A_24, %parallel_loop3A_72 : i32
        %parallel_loop3A_74 = vector.broadcast %parallel_loop3A_73 : i32 to vector<16xi32>
        %parallel_loop3A_75 = arith.addi %parallel_loop3A_74, %iota3A : vector<16xi32>
        %parallel_loop3A_76 = arith.index_cast %parallel_loop3A_57 : i32 to index
        %parallel_loop3A_77 = tpu.vector_load %arg11[%parallel_loop3A_76] masked %parallel_loop3A_70 {strides = array<i32>} : memref<8192xi32, #tpu.memory_space<vmem>>, vector<16xi32>, vector<16xi1>
        tpu.vector_store %arg11[%parallel_loop3A_76], %parallel_loop3A_67 masked %parallel_loop3A_70 {strides = array<i32>} : memref<8192xi32, #tpu.memory_space<vmem>>, vector<16xi32>, vector<16xi1>
        %parallel_loop3A_78 = arith.index_cast %parallel_loop3A_57 : i32 to index
        %parallel_loop3A_79 = tpu.vector_load %arg12[%parallel_loop3A_78] masked %parallel_loop3A_70 {strides = array<i32>} : memref<8192xf32, #tpu.memory_space<vmem>>, vector<16xf32>, vector<16xi1>
        tpu.vector_store %arg12[%parallel_loop3A_78], %parallel_loop3A_65 masked %parallel_loop3A_70 {strides = array<i32>} : memref<8192xf32, #tpu.memory_space<vmem>>, vector<16xf32>, vector<16xi1>
        %parallel_loop3A_80 = arith.index_cast %parallel_loop3A_57 : i32 to index
        %parallel_loop3A_81 = tpu.vector_load %arg13[%parallel_loop3A_80] masked %parallel_loop3A_70 {strides = array<i32>} : memref<8192xi32, #tpu.memory_space<vmem>>, vector<16xi32>, vector<16xi1>
        tpu.vector_store %arg13[%parallel_loop3A_80], %parallel_loop3A_75 masked %parallel_loop3A_70 {strides = array<i32>} : memref<8192xi32, #tpu.memory_space<vmem>>, vector<16xi32>, vector<16xi1>
        %parallel_loop3A_82 = tpu.all_reduce %parallel_loop3A_70 {dim = 0 : i64, kind = #tpu.reduction_kind<sum>} : vector<16xi1> -> vector<16xi32>
        %parallel_loop3A_83 = vector.extract_strided_slice %parallel_loop3A_82 {offsets = [0], sizes = [1], strides = [1]} : vector<16xi32> to vector<1xi32>
        %parallel_loop3A_84 = vector.extract %parallel_loop3A_83[0] : i32 from vector<1xi32>
        %parallel_loop3A_85 = arith.addi %parallel_loop3A_57, %parallel_loop3A_84 : i32
        scf.yield %parallel_loop3A_85 : i32
      } {sc.loop_unroll_factor = 8 : i64, sc.parallel_access}
      %add3A_29 = arith.constant 15 : i32
      %add3A_30 = arith.addi %parallel_loop3A_28, %add3A_29 : i32
      %jit3A = arith.constant 16 : i32
      %div3A = arith.divsi %add3A_30, %jit3A : i32
      %sign3A = arith.constant 0 : i32
      %sign3A_31 = arith.cmpi sgt, %add3A_30, %sign3A : i32
      %sign3A_32 = arith.extui %sign3A_31 : i1 to i32
      %sign3A_33 = arith.constant 0 : i32
      %sign3A_34 = arith.cmpi slt, %add3A_30, %sign3A_33 : i32
      %sign3A_35 = arith.extui %sign3A_34 : i1 to i32
      %sign3A_36 = arith.subi %sign3A_32, %sign3A_35 : i32
      %sign3A_37 = arith.constant 0 : i32
      %sign3A_38 = arith.cmpi sgt, %jit3A, %sign3A_37 : i32
      %sign3A_39 = arith.extui %sign3A_38 : i1 to i32
      %sign3A_40 = arith.constant 0 : i32
      %sign3A_41 = arith.cmpi slt, %jit3A, %sign3A_40 : i32
      %sign3A_42 = arith.extui %sign3A_41 : i1 to i32
      %sign3A_43 = arith.subi %sign3A_39, %sign3A_42 : i32
      %ne3A = arith.cmpi ne, %sign3A_36, %sign3A_43 : i32
      %rem3A = arith.remsi %add3A_30, %jit3A : i32
      %ne3A_44 = arith.constant 0 : i32
      %ne3A_45 = arith.cmpi ne, %rem3A, %ne3A_44 : i32
      %and3A = arith.andi %ne3A, %ne3A_45 : i1
      %sub3A = arith.constant 1 : i32
      %sub3A_46 = arith.subi %div3A, %sub3A : i32
      %select_n3A = arith.select %and3A, %sub3A_46, %div3A : i32
      %while3A = arith.constant 0 : i32
      %while3A_47 = arith.constant 0 : i32
      %while3A_48 = arith.subi %select_n3A, %while3A_47 : i32
      %while3A_49 = arith.addi %while3A_47, %while3A_48 : i32
      %while3A_50 = arith.constant 1 : i32
      %while3A_51 = arith.divsi %while3A_48, %while3A_50 : i32
      %while3A_52 = arith.muli %while3A_51, %while3A_50 : i32
      %while3A_53 = arith.addi %while3A_47, %while3A_52 : i32
      %while3A_54 = arith.constant 1 : i32
      scf.for %while3A_56 = %while3A_47 to %while3A_53 step %while3A_54  : i32 {
        %mul3A_57 = arith.constant 16 : i32
        %mul3A_58 = arith.muli %while3A_56, %mul3A_57 : i32
        %sub3A_59 = arith.subi %parallel_loop3A_28, %mul3A_58 : i32
        %lt3A = vector.broadcast %sub3A_59 : i32 to vector<16xi32>
        %lt3A_60 = arith.cmpi slt, %iota3A, %lt3A : vector<16xi32>
        %mul3A_61 = arith.constant 16 : i32
        %mul3A_62 = arith.muli %while3A_56, %mul3A_61 : i32
        %get3A = arith.index_cast %mul3A_62 : i32 to index
        %get3A_63 = tpu.vector_load %arg11[%get3A] {strides = array<i32>} : memref<8192xi32, #tpu.memory_space<vmem>>, vector<16xi32>,
        %and3A_64 = arith.constant 32767 : i32
        %and3A_65 = vector.broadcast %and3A_64 : i32 to vector<16xi32>
        %and3A_66 = arith.andi %get3A_63, %and3A_65 : vector<16xi32>
        %mul3A_67 = arith.constant 16 : i32
        %mul3A_68 = arith.muli %while3A_56, %mul3A_67 : i32
        %get3A_69 = arith.index_cast %mul3A_68 : i32 to index
        %get3A_70 = tpu.vector_load %arg12[%get3A_69] {strides = array<i32>} : memref<8192xf32, #tpu.memory_space<vmem>>, vector<16xf32>,
        %mul3A_71 = arith.constant 16 : i32
        %mul3A_72 = arith.muli %while3A_56, %mul3A_71 : i32
        %get3A_73 = arith.index_cast %mul3A_72 : i32 to index
        %get3A_74 = tpu.vector_load %arg13[%get3A_73] {strides = array<i32>} : memref<8192xi32, #tpu.memory_space<vmem>>, vector<16xi32>,
        %gather3A = tpu.vector_load_idx %arg8[%and3A_66] : memref<32768xf32, #tpu.memory_space<vmem>>[vector<16xi32>], vector<16xf32>,
        %lt3A_75 = arith.cmpf olt, %get3A_70, %gather3A : vector<16xf32>
        %and3A_76 = arith.andi %lt3A_75, %lt3A_60 : vector<16xi1>
        %while3A_77:2 = scf.while (%while3A_113 = %and3A_76, %while3A_114 = %gather3A) : (vector<16xi1>, vector<16xf32>) -> (vector<16xi1>, vector<16xf32>) {
          %all_reduce_population_count3A = tpu.all_reduce %while3A_113 {dim = 0 : i64, kind = #tpu.reduction_kind<sum>} : vector<16xi1> -> vector<16xi32>
          %slice3A = vector.extract_strided_slice %all_reduce_population_count3A {offsets = [0], sizes = [1], strides = [1]} : vector<16xi32> to vector<1xi32>
          %squeeze3A = vector.extract %slice3A[0] : i32 from vector<1xi32>
          %gt3A = arith.constant 0 : i32
          %gt3A_115 = arith.cmpi sgt, %squeeze3A, %gt3A : i32
          scf.condition(%gt3A_115) %while3A_113, %while3A_114 : vector<16xi1>, vector<16xf32>
        } do {
        ^bb0(%while3A_113: vector<16xi1>, %while3A_114: vector<16xf32>):
          tpu.vector_store_idx %arg8[%and3A_66], %get3A_70 masked %while3A_113 : memref<32768xf32, #tpu.memory_space<vmem>>[vector<16xi32>], vector<16xf32>, vector<16xi1>
          %gather3A_115 = tpu.vector_load_idx %arg8[%and3A_66] : memref<32768xf32, #tpu.memory_space<vmem>>[vector<16xi32>], vector<16xf32>,
          %lt3A_116 = arith.cmpf olt, %get3A_70, %gather3A_115 : vector<16xf32>
          %and3A_117 = arith.andi %lt3A_116, %lt3A_60 : vector<16xi1>
          scf.yield %and3A_117, %gather3A_115 : vector<16xi1>, vector<16xf32>
        }
        %eq3A = arith.cmpf oeq, %get3A_70, %while3A_77#1 : vector<16xf32>
        %and3A_78 = arith.andi %eq3A, %lt3A_60 : vector<16xi1>
        %jit3A_79 = arith.constant 1024 : i32
        %div3A_80 = vector.broadcast %jit3A_79 : i32 to vector<16xi32>
        %div3A_81 = arith.divsi %and3A_66, %div3A_80 : vector<16xi32>
        %sign3A_82 = arith.constant 0 : i32
        %sign3A_83 = vector.broadcast %sign3A_82 : i32 to vector<16xi32>
        %sign3A_84 = arith.cmpi sgt, %and3A_66, %sign3A_83 : vector<16xi32>
        %sign3A_85 = arith.extui %sign3A_84 : vector<16xi1> to vector<16xi32>
        %sign3A_86 = arith.constant 0 : i32
        %sign3A_87 = vector.broadcast %sign3A_86 : i32 to vector<16xi32>
        %sign3A_88 = arith.cmpi slt, %and3A_66, %sign3A_87 : vector<16xi32>
        %sign3A_89 = arith.extui %sign3A_88 : vector<16xi1> to vector<16xi32>
        %sign3A_90 = arith.subi %sign3A_85, %sign3A_89 : vector<16xi32>
        %sign3A_91 = arith.constant 0 : i32
        %sign3A_92 = arith.cmpi sgt, %jit3A_79, %sign3A_91 : i32
        %sign3A_93 = arith.extui %sign3A_92 : i1 to i32
        %sign3A_94 = arith.constant 0 : i32
        %sign3A_95 = arith.cmpi slt, %jit3A_79, %sign3A_94 : i32
        %sign3A_96 = arith.extui %sign3A_95 : i1 to i32
        %sign3A_97 = arith.subi %sign3A_93, %sign3A_96 : i32
        %ne3A_98 = vector.broadcast %sign3A_97 : i32 to vector<16xi32>
        %ne3A_99 = arith.cmpi ne, %sign3A_90, %ne3A_98 : vector<16xi32>
        %rem3A_100 = vector.broadcast %jit3A_79 : i32 to vector<16xi32>
        %rem3A_101 = arith.remsi %and3A_66, %rem3A_100 : vector<16xi32>
        %ne3A_102 = arith.constant 0 : i32
        %ne3A_103 = vector.broadcast %ne3A_102 : i32 to vector<16xi32>
        %ne3A_104 = arith.cmpi ne, %rem3A_101, %ne3A_103 : vector<16xi32>
        %and3A_105 = arith.andi %ne3A_99, %ne3A_104 : vector<16xi1>
        %sub3A_106 = arith.constant 1 : i32
        %sub3A_107 = vector.broadcast %sub3A_106 : i32 to vector<16xi32>
        %sub3A_108 = arith.subi %div3A_81, %sub3A_107 : vector<16xi32>
        %select_n3A_109 = arith.select %and3A_105, %sub3A_108, %div3A_81 : vector<16xi1>, vector<16xi32>
        %and3A_110 = arith.constant 1023 : i32
        %and3A_111 = vector.broadcast %and3A_110 : i32 to vector<16xi32>
        %and3A_112 = arith.andi %and3A_66, %and3A_111 : vector<16xi32>
        tpu.vector_store_idx %arg9[%select_n3A_109, %and3A_112], %get3A_74 masked %and3A_78 : memref<32x1024xi32, #tpu.memory_space<vmem>>[vector<16xi32>, vector<16xi32>], vector<16xi32>, vector<16xi1>
      }
      %while3A_55 = arith.constant 1 : i32
      scf.for %while3A_56 = %while3A_53 to %while3A_49 step %while3A_55  : i32 {
        %mul3A_57 = arith.constant 16 : i32
        %mul3A_58 = arith.muli %while3A_56, %mul3A_57 : i32
        %sub3A_59 = arith.subi %parallel_loop3A_28, %mul3A_58 : i32
        %lt3A = vector.broadcast %sub3A_59 : i32 to vector<16xi32>
        %lt3A_60 = arith.cmpi slt, %iota3A, %lt3A : vector<16xi32>
        %mul3A_61 = arith.constant 16 : i32
        %mul3A_62 = arith.muli %while3A_56, %mul3A_61 : i32
        %get3A = arith.index_cast %mul3A_62 : i32 to index
        %get3A_63 = tpu.vector_load %arg11[%get3A] {strides = array<i32>} : memref<8192xi32, #tpu.memory_space<vmem>>, vector<16xi32>,
        %and3A_64 = arith.constant 32767 : i32
        %and3A_65 = vector.broadcast %and3A_64 : i32 to vector<16xi32>
        %and3A_66 = arith.andi %get3A_63, %and3A_65 : vector<16xi32>
        %mul3A_67 = arith.constant 16 : i32
        %mul3A_68 = arith.muli %while3A_56, %mul3A_67 : i32
        %get3A_69 = arith.index_cast %mul3A_68 : i32 to index
        %get3A_70 = tpu.vector_load %arg12[%get3A_69] {strides = array<i32>} : memref<8192xf32, #tpu.memory_space<vmem>>, vector<16xf32>,
        %mul3A_71 = arith.constant 16 : i32
        %mul3A_72 = arith.muli %while3A_56, %mul3A_71 : i32
        %get3A_73 = arith.index_cast %mul3A_72 : i32 to index
        %get3A_74 = tpu.vector_load %arg13[%get3A_73] {strides = array<i32>} : memref<8192xi32, #tpu.memory_space<vmem>>, vector<16xi32>,
        %gather3A = tpu.vector_load_idx %arg8[%and3A_66] : memref<32768xf32, #tpu.memory_space<vmem>>[vector<16xi32>], vector<16xf32>,
        %lt3A_75 = arith.cmpf olt, %get3A_70, %gather3A : vector<16xf32>
        %and3A_76 = arith.andi %lt3A_75, %lt3A_60 : vector<16xi1>
        %while3A_77:2 = scf.while (%while3A_113 = %and3A_76, %while3A_114 = %gather3A) : (vector<16xi1>, vector<16xf32>) -> (vector<16xi1>, vector<16xf32>) {
          %all_reduce_population_count3A = tpu.all_reduce %while3A_113 {dim = 0 : i64, kind = #tpu.reduction_kind<sum>} : vector<16xi1> -> vector<16xi32>
          %slice3A = vector.extract_strided_slice %all_reduce_population_count3A {offsets = [0], sizes = [1], strides = [1]} : vector<16xi32> to vector<1xi32>
          %squeeze3A = vector.extract %slice3A[0] : i32 from vector<1xi32>
          %gt3A = arith.constant 0 : i32
          %gt3A_115 = arith.cmpi sgt, %squeeze3A, %gt3A : i32
          scf.condition(%gt3A_115) %while3A_113, %while3A_114 : vector<16xi1>, vector<16xf32>
        } do {
        ^bb0(%while3A_113: vector<16xi1>, %while3A_114: vector<16xf32>):
          tpu.vector_store_idx %arg8[%and3A_66], %get3A_70 masked %while3A_113 : memref<32768xf32, #tpu.memory_space<vmem>>[vector<16xi32>], vector<16xf32>, vector<16xi1>
          %gather3A_115 = tpu.vector_load_idx %arg8[%and3A_66] : memref<32768xf32, #tpu.memory_space<vmem>>[vector<16xi32>], vector<16xf32>,
          %lt3A_116 = arith.cmpf olt, %get3A_70, %gather3A_115 : vector<16xf32>
          %and3A_117 = arith.andi %lt3A_116, %lt3A_60 : vector<16xi1>
          scf.yield %and3A_117, %gather3A_115 : vector<16xi1>, vector<16xf32>
        }
        %eq3A = arith.cmpf oeq, %get3A_70, %while3A_77#1 : vector<16xf32>
        %and3A_78 = arith.andi %eq3A, %lt3A_60 : vector<16xi1>
        %jit3A_79 = arith.constant 1024 : i32
        %div3A_80 = vector.broadcast %jit3A_79 : i32 to vector<16xi32>
        %div3A_81 = arith.divsi %and3A_66, %div3A_80 : vector<16xi32>
        %sign3A_82 = arith.constant 0 : i32
        %sign3A_83 = vector.broadcast %sign3A_82 : i32 to vector<16xi32>
        %sign3A_84 = arith.cmpi sgt, %and3A_66, %sign3A_83 : vector<16xi32>
        %sign3A_85 = arith.extui %sign3A_84 : vector<16xi1> to vector<16xi32>
        %sign3A_86 = arith.constant 0 : i32
        %sign3A_87 = vector.broadcast %sign3A_86 : i32 to vector<16xi32>
        %sign3A_88 = arith.cmpi slt, %and3A_66, %sign3A_87 : vector<16xi32>
        %sign3A_89 = arith.extui %sign3A_88 : vector<16xi1> to vector<16xi32>
        %sign3A_90 = arith.subi %sign3A_85, %sign3A_89 : vector<16xi32>
        %sign3A_91 = arith.constant 0 : i32
        %sign3A_92 = arith.cmpi sgt, %jit3A_79, %sign3A_91 : i32
        %sign3A_93 = arith.extui %sign3A_92 : i1 to i32
        %sign3A_94 = arith.constant 0 : i32
        %sign3A_95 = arith.cmpi slt, %jit3A_79, %sign3A_94 : i32
        %sign3A_96 = arith.extui %sign3A_95 : i1 to i32
        %sign3A_97 = arith.subi %sign3A_93, %sign3A_96 : i32
        %ne3A_98 = vector.broadcast %sign3A_97 : i32 to vector<16xi32>
        %ne3A_99 = arith.cmpi ne, %sign3A_90, %ne3A_98 : vector<16xi32>
        %rem3A_100 = vector.broadcast %jit3A_79 : i32 to vector<16xi32>
        %rem3A_101 = arith.remsi %and3A_66, %rem3A_100 : vector<16xi32>
        %ne3A_102 = arith.constant 0 : i32
        %ne3A_103 = vector.broadcast %ne3A_102 : i32 to vector<16xi32>
        %ne3A_104 = arith.cmpi ne, %rem3A_101, %ne3A_103 : vector<16xi32>
        %and3A_105 = arith.andi %ne3A_99, %ne3A_104 : vector<16xi1>
        %sub3A_106 = arith.constant 1 : i32
        %sub3A_107 = vector.broadcast %sub3A_106 : i32 to vector<16xi32>
        %sub3A_108 = arith.subi %div3A_81, %sub3A_107 : vector<16xi32>
        %select_n3A_109 = arith.select %and3A_105, %sub3A_108, %div3A_81 : vector<16xi1>, vector<16xi32>
        %and3A_110 = arith.constant 1023 : i32
        %and3A_111 = vector.broadcast %and3A_110 : i32 to vector<16xi32>
        %and3A_112 = arith.andi %and3A_66, %and3A_111 : vector<16xi32>
        tpu.vector_store_idx %arg9[%select_n3A_109, %and3A_112], %get3A_74 masked %and3A_78 : memref<32x1024xi32, #tpu.memory_space<vmem>>[vector<16xi32>, vector<16xi32>], vector<16xi32>, vector<16xi1>
      }
    }
    %scan3A_15 = arith.constant 256 : i32
    %scan3A_16 = arith.constant 0 : i32
    %scan3A_17 = arith.constant 0 : i32
    %scan3A_18 = arith.constant 32 : i32
    %scan3A_19 = arith.addi %scan3A_17, %scan3A_18 : i32
    %scan3A_20 = arith.constant 1 : i32
    scf.for %scan3A_22 = %scan3A_17 to %scan3A_19 step %scan3A_20  : i32 {
      %dma_start3A = arith.constant 0 : i32
      %dma_start3A_23 = arith.constant 0 : i32
      %dma_start3A_24 = arith.constant 0 : i32
      %dma_start3A_25 = tpu.memref_slice %arg10[%dma_start3A_23, %dma_start3A_24] : memref<3x1024xf32, #tpu.memory_space<vmem>> -> memref<1x1024xf32, #tpu.memory_space<vmem>>
      %dma_start3A_26 = tpu.memref_squeeze %dma_start3A_25 : memref<1x1024xf32, #tpu.memory_space<vmem>> -> memref<1024xf32, #tpu.memory_space<vmem>>
      %dma_start3A_27 = arith.constant 0 : i32
      %dma_start3A_28 = tpu.memref_slice %arg9[%scan3A_22, %dma_start3A_27] : memref<32x1024xi32, #tpu.memory_space<vmem>> -> memref<1x1024xi32, #tpu.memory_space<vmem>>
      %dma_start3A_29 = tpu.memref_squeeze %dma_start3A_28 : memref<1x1024xi32, #tpu.memory_space<vmem>> -> memref<1024xi32, #tpu.memory_space<vmem>>
      %dma_start3A_30 = arith.constant 0 : i32
      %dma_start3A_31 = tpu.memref_slice %arg4[%dma_start3A, %dma_start3A_30] : memref<3x2000001xf32, #tpu.memory_space<hbm>> -> memref<1x2000001xf32, #tpu.memory_space<hbm>>
      %dma_start3A_32 = tpu.memref_squeeze %dma_start3A_31 : memref<1x2000001xf32, #tpu.memory_space<hbm>> -> memref<2000001xf32, #tpu.memory_space<hbm>>
      %dma_start3A_33 = arith.constant 0 : i32
      %dma_start3A_34 = tpu.memref_slice %dma_start3A_32[%dma_start3A_33] : memref<2000001xf32, #tpu.memory_space<hbm>> -> memref<2000001xf32, #tpu.memory_space<hbm>>
      tpu.enqueue_indirect_dma source(%dma_start3A_34 : memref<2000001xf32, #tpu.memory_space<hbm>>) target(%dma_start3A_26 : memref<1024xf32, #tpu.memory_space<vmem>>) offsets(%dma_start3A_29 : memref<1024xi32, #tpu.memory_space<vmem>>) semaphore(%arg14 : memref<!tpu.dma_semaphore, #tpu.memory_space<semaphore_mem>>)
      %dma_start3A_35 = arith.constant 1 : i32
      %dma_start3A_36 = arith.constant 1 : i32
      %dma_start3A_37 = arith.constant 0 : i32
      %dma_start3A_38 = tpu.memref_slice %arg10[%dma_start3A_36, %dma_start3A_37] : memref<3x1024xf32, #tpu.memory_space<vmem>> -> memref<1x1024xf32, #tpu.memory_space<vmem>>
      %dma_start3A_39 = tpu.memref_squeeze %dma_start3A_38 : memref<1x1024xf32, #tpu.memory_space<vmem>> -> memref<1024xf32, #tpu.memory_space<vmem>>
      %dma_start3A_40 = arith.constant 0 : i32
      %dma_start3A_41 = tpu.memref_slice %arg9[%scan3A_22, %dma_start3A_40] : memref<32x1024xi32, #tpu.memory_space<vmem>> -> memref<1x1024xi32, #tpu.memory_space<vmem>>
      %dma_start3A_42 = tpu.memref_squeeze %dma_start3A_41 : memref<1x1024xi32, #tpu.memory_space<vmem>> -> memref<1024xi32, #tpu.memory_space<vmem>>
      %dma_start3A_43 = arith.constant 0 : i32
      %dma_start3A_44 = tpu.memref_slice %arg4[%dma_start3A_35, %dma_start3A_43] : memref<3x2000001xf32, #tpu.memory_space<hbm>> -> memref<1x2000001xf32, #tpu.memory_space<hbm>>
      %dma_start3A_45 = tpu.memref_squeeze %dma_start3A_44 : memref<1x2000001xf32, #tpu.memory_space<hbm>> -> memref<2000001xf32, #tpu.memory_space<hbm>>
      %dma_start3A_46 = arith.constant 0 : i32
      %dma_start3A_47 = tpu.memref_slice %dma_start3A_45[%dma_start3A_46] : memref<2000001xf32, #tpu.memory_space<hbm>> -> memref<2000001xf32, #tpu.memory_space<hbm>>
      tpu.enqueue_indirect_dma source(%dma_start3A_47 : memref<2000001xf32, #tpu.memory_space<hbm>>) target(%dma_start3A_39 : memref<1024xf32, #tpu.memory_space<vmem>>) offsets(%dma_start3A_42 : memref<1024xi32, #tpu.memory_space<vmem>>) semaphore(%arg14 : memref<!tpu.dma_semaphore, #tpu.memory_space<semaphore_mem>>)
      %dma_start3A_48 = arith.constant 2 : i32
      %dma_start3A_49 = arith.constant 2 : i32
      %dma_start3A_50 = arith.constant 0 : i32
      %dma_start3A_51 = tpu.memref_slice %arg10[%dma_start3A_49, %dma_start3A_50] : memref<3x1024xf32, #tpu.memory_space<vmem>> -> memref<1x1024xf32, #tpu.memory_space<vmem>>
      %dma_start3A_52 = tpu.memref_squeeze %dma_start3A_51 : memref<1x1024xf32, #tpu.memory_space<vmem>> -> memref<1024xf32, #tpu.memory_space<vmem>>
      %dma_start3A_53 = arith.constant 0 : i32
      %dma_start3A_54 = tpu.memref_slice %arg9[%scan3A_22, %dma_start3A_53] : memref<32x1024xi32, #tpu.memory_space<vmem>> -> memref<1x1024xi32, #tpu.memory_space<vmem>>
      %dma_start3A_55 = tpu.memref_squeeze %dma_start3A_54 : memref<1x1024xi32, #tpu.memory_space<vmem>> -> memref<1024xi32, #tpu.memory_space<vmem>>
      %dma_start3A_56 = arith.constant 0 : i32
      %dma_start3A_57 = tpu.memref_slice %arg4[%dma_start3A_48, %dma_start3A_56] : memref<3x2000001xf32, #tpu.memory_space<hbm>> -> memref<1x2000001xf32, #tpu.memory_space<hbm>>
      %dma_start3A_58 = tpu.memref_squeeze %dma_start3A_57 : memref<1x2000001xf32, #tpu.memory_space<hbm>> -> memref<2000001xf32, #tpu.memory_space<hbm>>
      %dma_start3A_59 = arith.constant 0 : i32
      %dma_start3A_60 = tpu.memref_slice %dma_start3A_58[%dma_start3A_59] : memref<2000001xf32, #tpu.memory_space<hbm>> -> memref<2000001xf32, #tpu.memory_space<hbm>>
      tpu.enqueue_indirect_dma source(%dma_start3A_60 : memref<2000001xf32, #tpu.memory_space<hbm>>) target(%dma_start3A_52 : memref<1024xf32, #tpu.memory_space<vmem>>) offsets(%dma_start3A_55 : memref<1024xi32, #tpu.memory_space<vmem>>) semaphore(%arg14 : memref<!tpu.dma_semaphore, #tpu.memory_space<semaphore_mem>>)
      %dma_wait3A = arith.constant 0 : i32
      %dma_wait3A_61 = arith.constant 0 : i32
      %dma_wait3A_62 = arith.constant 0 : i32
      %dma_wait3A_63 = tpu.memref_slice %arg10[%dma_wait3A_61, %dma_wait3A_62] : memref<3x1024xf32, #tpu.memory_space<vmem>> -> memref<1x1024xf32, #tpu.memory_space<vmem>>
      %dma_wait3A_64 = tpu.memref_squeeze %dma_wait3A_63 : memref<1x1024xf32, #tpu.memory_space<vmem>> -> memref<1024xf32, #tpu.memory_space<vmem>>
      %dma_wait3A_65 = arith.constant 0 : i32
      %dma_wait3A_66 = tpu.memref_slice %arg9[%scan3A_22, %dma_wait3A_65] : memref<32x1024xi32, #tpu.memory_space<vmem>> -> memref<1x1024xi32, #tpu.memory_space<vmem>>
      %dma_wait3A_67 = tpu.memref_squeeze %dma_wait3A_66 : memref<1x1024xi32, #tpu.memory_space<vmem>> -> memref<1024xi32, #tpu.memory_space<vmem>>
      %dma_wait3A_68 = arith.constant 0 : i32
      %dma_wait3A_69 = tpu.memref_slice %arg4[%dma_wait3A, %dma_wait3A_68] : memref<3x2000001xf32, #tpu.memory_space<hbm>> -> memref<1x2000001xf32, #tpu.memory_space<hbm>>
      %dma_wait3A_70 = tpu.memref_squeeze %dma_wait3A_69 : memref<1x2000001xf32, #tpu.memory_space<hbm>> -> memref<2000001xf32, #tpu.memory_space<hbm>>
      %dma_wait3A_71 = arith.constant 0 : i32
      %dma_wait3A_72 = tpu.memref_slice %dma_wait3A_70[%dma_wait3A_71] : memref<2000001xf32, #tpu.memory_space<hbm>> -> memref<2000001xf32, #tpu.memory_space<hbm>>
      tpu.wait_indirect_dma semaphore(%arg14 : memref<!tpu.dma_semaphore, #tpu.memory_space<semaphore_mem>>) src(%dma_wait3A_72 : memref<2000001xf32, #tpu.memory_space<hbm>>) dst(%dma_wait3A_64 : memref<1024xf32, #tpu.memory_space<vmem>>)
      %dma_wait3A_73 = arith.constant 1 : i32
      %dma_wait3A_74 = arith.constant 1 : i32
      %dma_wait3A_75 = arith.constant 0 : i32
      %dma_wait3A_76 = tpu.memref_slice %arg10[%dma_wait3A_74, %dma_wait3A_75] : memref<3x1024xf32, #tpu.memory_space<vmem>> -> memref<1x1024xf32, #tpu.memory_space<vmem>>
      %dma_wait3A_77 = tpu.memref_squeeze %dma_wait3A_76 : memref<1x1024xf32, #tpu.memory_space<vmem>> -> memref<1024xf32, #tpu.memory_space<vmem>>
      %dma_wait3A_78 = arith.constant 0 : i32
      %dma_wait3A_79 = tpu.memref_slice %arg9[%scan3A_22, %dma_wait3A_78] : memref<32x1024xi32, #tpu.memory_space<vmem>> -> memref<1x1024xi32, #tpu.memory_space<vmem>>
      %dma_wait3A_80 = tpu.memref_squeeze %dma_wait3A_79 : memref<1x1024xi32, #tpu.memory_space<vmem>> -> memref<1024xi32, #tpu.memory_space<vmem>>
      %dma_wait3A_81 = arith.constant 0 : i32
      %dma_wait3A_82 = tpu.memref_slice %arg4[%dma_wait3A_73, %dma_wait3A_81] : memref<3x2000001xf32, #tpu.memory_space<hbm>> -> memref<1x2000001xf32, #tpu.memory_space<hbm>>
      %dma_wait3A_83 = tpu.memref_squeeze %dma_wait3A_82 : memref<1x2000001xf32, #tpu.memory_space<hbm>> -> memref<2000001xf32, #tpu.memory_space<hbm>>
      %dma_wait3A_84 = arith.constant 0 : i32
      %dma_wait3A_85 = tpu.memref_slice %dma_wait3A_83[%dma_wait3A_84] : memref<2000001xf32, #tpu.memory_space<hbm>> -> memref<2000001xf32, #tpu.memory_space<hbm>>
      tpu.wait_indirect_dma semaphore(%arg14 : memref<!tpu.dma_semaphore, #tpu.memory_space<semaphore_mem>>) src(%dma_wait3A_85 : memref<2000001xf32, #tpu.memory_space<hbm>>) dst(%dma_wait3A_77 : memref<1024xf32, #tpu.memory_space<vmem>>)
      %dma_wait3A_86 = arith.constant 2 : i32
      %dma_wait3A_87 = arith.constant 2 : i32
      %dma_wait3A_88 = arith.constant 0 : i32
      %dma_wait3A_89 = tpu.memref_slice %arg10[%dma_wait3A_87, %dma_wait3A_88] : memref<3x1024xf32, #tpu.memory_space<vmem>> -> memref<1x1024xf32, #tpu.memory_space<vmem>>
      %dma_wait3A_90 = tpu.memref_squeeze %dma_wait3A_89 : memref<1x1024xf32, #tpu.memory_space<vmem>> -> memref<1024xf32, #tpu.memory_space<vmem>>
      %dma_wait3A_91 = arith.constant 0 : i32
      %dma_wait3A_92 = tpu.memref_slice %arg9[%scan3A_22, %dma_wait3A_91] : memref<32x1024xi32, #tpu.memory_space<vmem>> -> memref<1x1024xi32, #tpu.memory_space<vmem>>
      %dma_wait3A_93 = tpu.memref_squeeze %dma_wait3A_92 : memref<1x1024xi32, #tpu.memory_space<vmem>> -> memref<1024xi32, #tpu.memory_space<vmem>>
      %dma_wait3A_94 = arith.constant 0 : i32
      %dma_wait3A_95 = tpu.memref_slice %arg4[%dma_wait3A_86, %dma_wait3A_94] : memref<3x2000001xf32, #tpu.memory_space<hbm>> -> memref<1x2000001xf32, #tpu.memory_space<hbm>>
      %dma_wait3A_96 = tpu.memref_squeeze %dma_wait3A_95 : memref<1x2000001xf32, #tpu.memory_space<hbm>> -> memref<2000001xf32, #tpu.memory_space<hbm>>
      %dma_wait3A_97 = arith.constant 0 : i32
      %dma_wait3A_98 = tpu.memref_slice %dma_wait3A_96[%dma_wait3A_97] : memref<2000001xf32, #tpu.memory_space<hbm>> -> memref<2000001xf32, #tpu.memory_space<hbm>>
      tpu.wait_indirect_dma semaphore(%arg14 : memref<!tpu.dma_semaphore, #tpu.memory_space<semaphore_mem>>) src(%dma_wait3A_98 : memref<2000001xf32, #tpu.memory_space<hbm>>) dst(%dma_wait3A_90 : memref<1024xf32, #tpu.memory_space<vmem>>)
      %mul3A_99 = arith.constant 1024 : i32
      %mul3A_100 = arith.muli %scan3A_22, %mul3A_99 : i32
      %add3A_101 = arith.addi %mul3A_2, %mul3A_100 : i32
      %run_scoped3A = arith.constant 0 : i32
      %run_scoped3A_102 = arith.constant 0 : i32
      "tpu.region"() ({
        %run_scoped3A_113 = tpu.sem_alloc : memref<!tpu.dma_semaphore, #tpu.memory_space<semaphore_mem>>
        %dma_start3A_114 = arith.constant 0 : i32
        %dma_start3A_115 = tpu.memref_slice %arg10[%run_scoped3A, %dma_start3A_114] : memref<3x1024xf32, #tpu.memory_space<vmem>> -> memref<1x1024xf32, #tpu.memory_space<vmem>>
        %dma_start3A_116 = tpu.memref_squeeze %dma_start3A_115 : memref<1x1024xf32, #tpu.memory_space<vmem>> -> memref<1024xf32, #tpu.memory_space<vmem>>
        %dma_start3A_117 = arith.constant 0 : i32
        %dma_start3A_118 = tpu.memref_slice %arg5[%run_scoped3A_102, %dma_start3A_117] : memref<3x1048576xf32, #tpu.memory_space<hbm>> -> memref<1x1048576xf32, #tpu.memory_space<hbm>>
        %dma_start3A_119 = tpu.memref_squeeze %dma_start3A_118 : memref<1x1048576xf32, #tpu.memory_space<hbm>> -> memref<1048576xf32, #tpu.memory_space<hbm>>
        %dma_start3A_120 = tpu.memref_slice %dma_start3A_119[%add3A_101] : memref<1048576xf32, #tpu.memory_space<hbm>> -> memref<1024xf32, #tpu.memory_space<hbm>>
        %dma_start3A_121 = arith.constant 0 : i32
        %dma_start3A_122 = tpu.memref_slice %arg5[%run_scoped3A_102, %dma_start3A_121] : memref<3x1048576xf32, #tpu.memory_space<hbm>> -> memref<1x1048576xf32, #tpu.memory_space<hbm>>
        %dma_start3A_123 = tpu.memref_squeeze %dma_start3A_122 : memref<1x1048576xf32, #tpu.memory_space<hbm>> -> memref<1048576xf32, #tpu.memory_space<hbm>>
        %dma_start3A_124 = tpu.memref_slice %dma_start3A_123[%add3A_101] : memref<1048576xf32, #tpu.memory_space<hbm>> -> memref<1024xf32, #tpu.memory_space<hbm>>
        %dma_start3A_125 = arith.constant 0 : i32
        %dma_start3A_126 = tpu.memref_slice %arg10[%run_scoped3A, %dma_start3A_125] : memref<3x1024xf32, #tpu.memory_space<vmem>> -> memref<1x1024xf32, #tpu.memory_space<vmem>>
        %dma_start3A_127 = tpu.memref_squeeze %dma_start3A_126 : memref<1x1024xf32, #tpu.memory_space<vmem>> -> memref<1024xf32, #tpu.memory_space<vmem>>
        tpu.enqueue_dma source(%dma_start3A_127 : memref<1024xf32, #tpu.memory_space<vmem>>) target(%dma_start3A_124 : memref<1024xf32, #tpu.memory_space<hbm>>) target_semaphore(%run_scoped3A_113 : memref<!tpu.dma_semaphore, #tpu.memory_space<semaphore_mem>>)
        %dma_wait3A_128 = arith.constant 0 : i32
        %dma_wait3A_129 = tpu.memref_slice %arg10[%run_scoped3A, %dma_wait3A_128] : memref<3x1024xf32, #tpu.memory_space<vmem>> -> memref<1x1024xf32, #tpu.memory_space<vmem>>
        %dma_wait3A_130 = tpu.memref_squeeze %dma_wait3A_129 : memref<1x1024xf32, #tpu.memory_space<vmem>> -> memref<1024xf32, #tpu.memory_space<vmem>>
        %dma_wait3A_131 = arith.constant 0 : i32
        %dma_wait3A_132 = tpu.memref_slice %arg5[%run_scoped3A_102, %dma_wait3A_131] : memref<3x1048576xf32, #tpu.memory_space<hbm>> -> memref<1x1048576xf32, #tpu.memory_space<hbm>>
        %dma_wait3A_133 = tpu.memref_squeeze %dma_wait3A_132 : memref<1x1048576xf32, #tpu.memory_space<hbm>> -> memref<1048576xf32, #tpu.memory_space<hbm>>
        %dma_wait3A_134 = tpu.memref_slice %dma_wait3A_133[%add3A_101] : memref<1048576xf32, #tpu.memory_space<hbm>> -> memref<1024xf32, #tpu.memory_space<hbm>>
        %dma_wait3A_135 = arith.constant 0 : i32
        %dma_wait3A_136 = tpu.memref_slice %arg5[%run_scoped3A_102, %dma_wait3A_135] : memref<3x1048576xf32, #tpu.memory_space<hbm>> -> memref<1x1048576xf32, #tpu.memory_space<hbm>>
        %dma_wait3A_137 = tpu.memref_squeeze %dma_wait3A_136 : memref<1x1048576xf32, #tpu.memory_space<hbm>> -> memref<1048576xf32, #tpu.memory_space<hbm>>
        %dma_wait3A_138 = tpu.memref_slice %dma_wait3A_137[%add3A_101] : memref<1048576xf32, #tpu.memory_space<hbm>> -> memref<1024xf32, #tpu.memory_space<hbm>>
        %dma_wait3A_139 = arith.constant 0 : i32
        %dma_wait3A_140 = tpu.memref_slice %arg10[%run_scoped3A, %dma_wait3A_139] : memref<3x1024xf32, #tpu.memory_space<vmem>> -> memref<1x1024xf32, #tpu.memory_space<vmem>>
        %dma_wait3A_141 = tpu.memref_squeeze %dma_wait3A_140 : memref<1x1024xf32, #tpu.memory_space<vmem>> -> memref<1024xf32, #tpu.memory_space<vmem>>
        tpu.wait_dma2 semaphore(%run_scoped3A_113 : memref<!tpu.dma_semaphore, #tpu.memory_space<semaphore_mem>>) src(%dma_wait3A_141 : memref<1024xf32, #tpu.memory_space<vmem>>) dst(%dma_wait3A_138 : memref<1024xf32, #tpu.memory_space<hbm>>)
        tpu.yield
      }) : () -> ()
      %mul3A_103 = arith.constant 1024 : i32
      %mul3A_104 = arith.muli %scan3A_22, %mul3A_103 : i32
      %add3A_105 = arith.addi %mul3A_2, %mul3A_104 : i32
      %run_scoped3A_106 = arith.constant 1 : i32
      %run_scoped3A_107 = arith.constant 1 : i32
      "tpu.region"() ({
        %run_scoped3A_113 = tpu.sem_alloc : memref<!tpu.dma_semaphore, #tpu.memory_space<semaphore_mem>>
        %dma_start3A_114 = arith.constant 0 : i32
        %dma_start3A_115 = tpu.memref_slice %arg10[%run_scoped3A_106, %dma_start3A_114] : memref<3x1024xf32, #tpu.memory_space<vmem>> -> memref<1x1024xf32, #tpu.memory_space<vmem>>
        %dma_start3A_116 = tpu.memref_squeeze %dma_start3A_115 : memref<1x1024xf32, #tpu.memory_space<vmem>> -> memref<1024xf32, #tpu.memory_space<vmem>>
        %dma_start3A_117 = arith.constant 0 : i32
        %dma_start3A_118 = tpu.memref_slice %arg5[%run_scoped3A_107, %dma_start3A_117] : memref<3x1048576xf32, #tpu.memory_space<hbm>> -> memref<1x1048576xf32, #tpu.memory_space<hbm>>
        %dma_start3A_119 = tpu.memref_squeeze %dma_start3A_118 : memref<1x1048576xf32, #tpu.memory_space<hbm>> -> memref<1048576xf32, #tpu.memory_space<hbm>>
        %dma_start3A_120 = tpu.memref_slice %dma_start3A_119[%add3A_105] : memref<1048576xf32, #tpu.memory_space<hbm>> -> memref<1024xf32, #tpu.memory_space<hbm>>
        %dma_start3A_121 = arith.constant 0 : i32
        %dma_start3A_122 = tpu.memref_slice %arg5[%run_scoped3A_107, %dma_start3A_121] : memref<3x1048576xf32, #tpu.memory_space<hbm>> -> memref<1x1048576xf32, #tpu.memory_space<hbm>>
        %dma_start3A_123 = tpu.memref_squeeze %dma_start3A_122 : memref<1x1048576xf32, #tpu.memory_space<hbm>> -> memref<1048576xf32, #tpu.memory_space<hbm>>
        %dma_start3A_124 = tpu.memref_slice %dma_start3A_123[%add3A_105] : memref<1048576xf32, #tpu.memory_space<hbm>> -> memref<1024xf32, #tpu.memory_space<hbm>>
        %dma_start3A_125 = arith.constant 0 : i32
        %dma_start3A_126 = tpu.memref_slice %arg10[%run_scoped3A_106, %dma_start3A_125] : memref<3x1024xf32, #tpu.memory_space<vmem>> -> memref<1x1024xf32, #tpu.memory_space<vmem>>
        %dma_start3A_127 = tpu.memref_squeeze %dma_start3A_126 : memref<1x1024xf32, #tpu.memory_space<vmem>> -> memref<1024xf32, #tpu.memory_space<vmem>>
        tpu.enqueue_dma source(%dma_start3A_127 : memref<1024xf32, #tpu.memory_space<vmem>>) target(%dma_start3A_124 : memref<1024xf32, #tpu.memory_space<hbm>>) target_semaphore(%run_scoped3A_113 : memref<!tpu.dma_semaphore, #tpu.memory_space<semaphore_mem>>)
        %dma_wait3A_128 = arith.constant 0 : i32
        %dma_wait3A_129 = tpu.memref_slice %arg10[%run_scoped3A_106, %dma_wait3A_128] : memref<3x1024xf32, #tpu.memory_space<vmem>> -> memref<1x1024xf32, #tpu.memory_space<vmem>>
        %dma_wait3A_130 = tpu.memref_squeeze %dma_wait3A_129 : memref<1x1024xf32, #tpu.memory_space<vmem>> -> memref<1024xf32, #tpu.memory_space<vmem>>
        %dma_wait3A_131 = arith.constant 0 : i32
        %dma_wait3A_132 = tpu.memref_slice %arg5[%run_scoped3A_107, %dma_wait3A_131] : memref<3x1048576xf32, #tpu.memory_space<hbm>> -> memref<1x1048576xf32, #tpu.memory_space<hbm>>
        %dma_wait3A_133 = tpu.memref_squeeze %dma_wait3A_132 : memref<1x1048576xf32, #tpu.memory_space<hbm>> -> memref<1048576xf32, #tpu.memory_space<hbm>>
        %dma_wait3A_134 = tpu.memref_slice %dma_wait3A_133[%add3A_105] : memref<1048576xf32, #tpu.memory_space<hbm>> -> memref<1024xf32, #tpu.memory_space<hbm>>
        %dma_wait3A_135 = arith.constant 0 : i32
        %dma_wait3A_136 = tpu.memref_slice %arg5[%run_scoped3A_107, %dma_wait3A_135] : memref<3x1048576xf32, #tpu.memory_space<hbm>> -> memref<1x1048576xf32, #tpu.memory_space<hbm>>
        %dma_wait3A_137 = tpu.memref_squeeze %dma_wait3A_136 : memref<1x1048576xf32, #tpu.memory_space<hbm>> -> memref<1048576xf32, #tpu.memory_space<hbm>>
        %dma_wait3A_138 = tpu.memref_slice %dma_wait3A_137[%add3A_105] : memref<1048576xf32, #tpu.memory_space<hbm>> -> memref<1024xf32, #tpu.memory_space<hbm>>
        %dma_wait3A_139 = arith.constant 0 : i32
        %dma_wait3A_140 = tpu.memref_slice %arg10[%run_scoped3A_106, %dma_wait3A_139] : memref<3x1024xf32, #tpu.memory_space<vmem>> -> memref<1x1024xf32, #tpu.memory_space<vmem>>
        %dma_wait3A_141 = tpu.memref_squeeze %dma_wait3A_140 : memref<1x1024xf32, #tpu.memory_space<vmem>> -> memref<1024xf32, #tpu.memory_space<vmem>>
        tpu.wait_dma2 semaphore(%run_scoped3A_113 : memref<!tpu.dma_semaphore, #tpu.memory_space<semaphore_mem>>) src(%dma_wait3A_141 : memref<1024xf32, #tpu.memory_space<vmem>>) dst(%dma_wait3A_138 : memref<1024xf32, #tpu.memory_space<hbm>>)
        tpu.yield
      }) : () -> ()
      %mul3A_108 = arith.constant 1024 : i32
      %mul3A_109 = arith.muli %scan3A_22, %mul3A_108 : i32
      %add3A_110 = arith.addi %mul3A_2, %mul3A_109 : i32
      %run_scoped3A_111 = arith.constant 2 : i32
      %run_scoped3A_112 = arith.constant 2 : i32
      "tpu.region"() ({
        %run_scoped3A_113 = tpu.sem_alloc : memref<!tpu.dma_semaphore, #tpu.memory_space<semaphore_mem>>
        %dma_start3A_114 = arith.constant 0 : i32
        %dma_start3A_115 = tpu.memref_slice %arg10[%run_scoped3A_111, %dma_start3A_114] : memref<3x1024xf32, #tpu.memory_space<vmem>> -> memref<1x1024xf32, #tpu.memory_space<vmem>>
        %dma_start3A_116 = tpu.memref_squeeze %dma_start3A_115 : memref<1x1024xf32, #tpu.memory_space<vmem>> -> memref<1024xf32, #tpu.memory_space<vmem>>
        %dma_start3A_117 = arith.constant 0 : i32
        %dma_start3A_118 = tpu.memref_slice %arg5[%run_scoped3A_112, %dma_start3A_117] : memref<3x1048576xf32, #tpu.memory_space<hbm>> -> memref<1x1048576xf32, #tpu.memory_space<hbm>>
        %dma_start3A_119 = tpu.memref_squeeze %dma_start3A_118 : memref<1x1048576xf32, #tpu.memory_space<hbm>> -> memref<1048576xf32, #tpu.memory_space<hbm>>
        %dma_start3A_120 = tpu.memref_slice %dma_start3A_119[%add3A_110] : memref<1048576xf32, #tpu.memory_space<hbm>> -> memref<1024xf32, #tpu.memory_space<hbm>>
        %dma_start3A_121 = arith.constant 0 : i32
        %dma_start3A_122 = tpu.memref_slice %arg5[%run_scoped3A_112, %dma_start3A_121] : memref<3x1048576xf32, #tpu.memory_space<hbm>> -> memref<1x1048576xf32, #tpu.memory_space<hbm>>
        %dma_start3A_123 = tpu.memref_squeeze %dma_start3A_122 : memref<1x1048576xf32, #tpu.memory_space<hbm>> -> memref<1048576xf32, #tpu.memory_space<hbm>>
        %dma_start3A_124 = tpu.memref_slice %dma_start3A_123[%add3A_110] : memref<1048576xf32, #tpu.memory_space<hbm>> -> memref<1024xf32, #tpu.memory_space<hbm>>
        %dma_start3A_125 = arith.constant 0 : i32
        %dma_start3A_126 = tpu.memref_slice %arg10[%run_scoped3A_111, %dma_start3A_125] : memref<3x1024xf32, #tpu.memory_space<vmem>> -> memref<1x1024xf32, #tpu.memory_space<vmem>>
        %dma_start3A_127 = tpu.memref_squeeze %dma_start3A_126 : memref<1x1024xf32, #tpu.memory_space<vmem>> -> memref<1024xf32, #tpu.memory_space<vmem>>
        tpu.enqueue_dma source(%dma_start3A_127 : memref<1024xf32, #tpu.memory_space<vmem>>) target(%dma_start3A_124 : memref<1024xf32, #tpu.memory_space<hbm>>) target_semaphore(%run_scoped3A_113 : memref<!tpu.dma_semaphore, #tpu.memory_space<semaphore_mem>>)
        %dma_wait3A_128 = arith.constant 0 : i32
        %dma_wait3A_129 = tpu.memref_slice %arg10[%run_scoped3A_111, %dma_wait3A_128] : memref<3x1024xf32, #tpu.memory_space<vmem>> -> memref<1x1024xf32, #tpu.memory_space<vmem>>
        %dma_wait3A_130 = tpu.memref_squeeze %dma_wait3A_129 : memref<1x1024xf32, #tpu.memory_space<vmem>> -> memref<1024xf32, #tpu.memory_space<vmem>>
        %dma_wait3A_131 = arith.constant 0 : i32
        %dma_wait3A_132 = tpu.memref_slice %arg5[%run_scoped3A_112, %dma_wait3A_131] : memref<3x1048576xf32, #tpu.memory_space<hbm>> -> memref<1x1048576xf32, #tpu.memory_space<hbm>>
        %dma_wait3A_133 = tpu.memref_squeeze %dma_wait3A_132 : memref<1x1048576xf32, #tpu.memory_space<hbm>> -> memref<1048576xf32, #tpu.memory_space<hbm>>
        %dma_wait3A_134 = tpu.memref_slice %dma_wait3A_133[%add3A_110] : memref<1048576xf32, #tpu.memory_space<hbm>> -> memref<1024xf32, #tpu.memory_space<hbm>>
        %dma_wait3A_135 = arith.constant 0 : i32
        %dma_wait3A_136 = tpu.memref_slice %arg5[%run_scoped3A_112, %dma_wait3A_135] : memref<3x1048576xf32, #tpu.memory_space<hbm>> -> memref<1x1048576xf32, #tpu.memory_space<hbm>>
        %dma_wait3A_137 = tpu.memref_squeeze %dma_wait3A_136 : memref<1x1048576xf32, #tpu.memory_space<hbm>> -> memref<1048576xf32, #tpu.memory_space<hbm>>
        %dma_wait3A_138 = tpu.memref_slice %dma_wait3A_137[%add3A_110] : memref<1048576xf32, #tpu.memory_space<hbm>> -> memref<1024xf32, #tpu.memory_space<hbm>>
        %dma_wait3A_139 = arith.constant 0 : i32
        %dma_wait3A_140 = tpu.memref_slice %arg10[%run_scoped3A_111, %dma_wait3A_139] : memref<3x1024xf32, #tpu.memory_space<vmem>> -> memref<1x1024xf32, #tpu.memory_space<vmem>>
        %dma_wait3A_141 = tpu.memref_squeeze %dma_wait3A_140 : memref<1x1024xf32, #tpu.memory_space<vmem>> -> memref<1024xf32, #tpu.memory_space<vmem>>
        tpu.wait_dma2 semaphore(%run_scoped3A_113 : memref<!tpu.dma_semaphore, #tpu.memory_space<semaphore_mem>>) src(%dma_wait3A_141 : memref<1024xf32, #tpu.memory_space<vmem>>) dst(%dma_wait3A_138 : memref<1024xf32, #tpu.memory_space<hbm>>)
        tpu.yield
      }) : () -> ()
    }
    %scan3A_21 = arith.constant 32 : i32
    return
  }
}

module attributes {stable_mosaic.version = 14 : i64} {
  func.func @_proj_body(%arg0: i32, %arg1: memref<131072xf32, #tpu.memory_space<vmem>>, %arg2: memref<131072xf32, #tpu.memory_space<vmem>>, %arg3: memref<131072xf32, #tpu.memory_space<vmem>>, %arg4: memref<131072xi32, #tpu.memory_space<vmem>>, %arg5: memref<131072xf32, #tpu.memory_space<vmem>>) attributes {dimension_semantics = [#tpu.dimension_semantics<arbitrary>], iteration_bounds = array<i64: 16>, scalar_prefetch = 0 : i64, scratch_operands = 0 : i64, tpu.core_type = #tpu.core_type<tc>, window_params = [{transform_indices = @transform_0, window_bounds = array<i64: 131072>}, {transform_indices = @transform_1, window_bounds = array<i64: 131072>}, {transform_indices = @transform_2, window_bounds = array<i64: 131072>}, {transform_indices = @transform_3, window_bounds = array<i64: 131072>}, {transform_indices = @transform_4, window_bounds = array<i64: 131072>}]} {
    %get3A = arith.constant 0 : index
    %get3A_0 = vector.load %arg1[%get3A] : memref<131072xf32, #tpu.memory_space<vmem>>, vector<131072xf32>
    %get3A_1 = arith.constant 0 : index
    %get3A_2 = vector.load %arg2[%get3A_1] : memref<131072xf32, #tpu.memory_space<vmem>>, vector<131072xf32>
    %get3A_3 = arith.constant 0 : index
    %get3A_4 = vector.load %arg3[%get3A_3] : memref<131072xf32, #tpu.memory_space<vmem>>, vector<131072xf32>
    %add3A = arith.constant 9.99999993E-9 : f32
    %add3A_5 = vector.broadcast %add3A : f32 to vector<131072xf32>
    %add3A_6 = arith.addf %get3A_4, %add3A_5 : vector<131072xf32>
    %div3A = arith.divf %get3A_0, %add3A_6 : vector<131072xf32>
    %floor3A = math.floor %div3A : vector<131072xf32>
    %convert_element_type3A = arith.fptosi %floor3A : vector<131072xf32> to vector<131072xi32>
    %div3A_7 = arith.divf %get3A_2, %add3A_6 : vector<131072xf32>
    %floor3A_8 = math.floor %div3A_7 : vector<131072xf32>
    %convert_element_type3A_9 = arith.fptosi %floor3A_8 : vector<131072xf32> to vector<131072xi32>
    %ge3A = arith.constant 0 : i32
    %ge3A_10 = vector.broadcast %ge3A : i32 to vector<131072xi32>
    %ge3A_11 = arith.cmpi sge, %convert_element_type3A, %ge3A_10 : vector<131072xi32>
    %lt3A = arith.constant 1024 : i32
    %lt3A_12 = vector.broadcast %lt3A : i32 to vector<131072xi32>
    %lt3A_13 = arith.cmpi slt, %convert_element_type3A, %lt3A_12 : vector<131072xi32>
    %and3A = arith.andi %ge3A_11, %lt3A_13 : vector<131072xi1>
    %ge3A_14 = arith.constant 0 : i32
    %ge3A_15 = vector.broadcast %ge3A_14 : i32 to vector<131072xi32>
    %ge3A_16 = arith.cmpi sge, %convert_element_type3A_9, %ge3A_15 : vector<131072xi32>
    %and3A_17 = arith.andi %and3A, %ge3A_16 : vector<131072xi1>
    %lt3A_18 = arith.constant 1024 : i32
    %lt3A_19 = vector.broadcast %lt3A_18 : i32 to vector<131072xi32>
    %lt3A_20 = arith.cmpi slt, %convert_element_type3A_9, %lt3A_19 : vector<131072xi32>
    %and3A_21 = arith.andi %and3A_17, %lt3A_20 : vector<131072xi1>
    %gt3A = arith.constant 0.000000e+00 : f32
    %gt3A_22 = vector.broadcast %gt3A : f32 to vector<131072xf32>
    %gt3A_23 = arith.cmpf ogt, %get3A_4, %gt3A_22 : vector<131072xf32>
    %and3A_24 = arith.andi %and3A_21, %gt3A_23 : vector<131072xi1>
    %mul3A = arith.constant 1024 : i32
    %mul3A_25 = vector.broadcast %mul3A : i32 to vector<131072xi32>
    %mul3A_26 = arith.muli %convert_element_type3A_9, %mul3A_25 : vector<131072xi32>
    %add3A_27 = arith.addi %mul3A_26, %convert_element_type3A : vector<131072xi32>
    %jit3A = arith.constant 1048576 : i32
    %broadcast_in_dim3A = vector.broadcast %jit3A : i32 to vector<131072xi32>
    %select_n3A = arith.select %and3A_24, %add3A_27, %broadcast_in_dim3A : vector<131072xi1>, vector<131072xi32>
    %swap3A = arith.constant 0 : index
    %swap3A_28 = vector.load %arg4[%swap3A] : memref<131072xi32, #tpu.memory_space<vmem>>, vector<131072xi32>
    tpu.vector_store %arg4[%swap3A], %select_n3A {strides = array<i32>} : memref<131072xi32, #tpu.memory_space<vmem>>, vector<131072xi32>,
    %jit3A_29 = arith.constant 0x7F800000 : f32
    %broadcast_in_dim3A_30 = vector.broadcast %jit3A_29 : f32 to vector<131072xf32>
    %select_n3A_31 = arith.select %and3A_24, %get3A_4, %broadcast_in_dim3A_30 : vector<131072xi1>, vector<131072xf32>
    %swap3A_32 = arith.constant 0 : index
    %swap3A_33 = vector.load %arg5[%swap3A_32] : memref<131072xf32, #tpu.memory_space<vmem>>, vector<131072xf32>
    tpu.vector_store %arg5[%swap3A_32], %select_n3A_31 {strides = array<i32>} : memref<131072xf32, #tpu.memory_space<vmem>>, vector<131072xf32>,
    return
  }
  func.func @transform_0(%arg0: i32) -> i32 {
    %c0_i32 = arith.constant 0 : i32
    return %arg0 : i32
  }
  func.func @transform_1(%arg0: i32) -> i32 {
    %c0_i32 = arith.constant 0 : i32
    return %arg0 : i32
  }
  func.func @transform_2(%arg0: i32) -> i32 {
    %c0_i32 = arith.constant 0 : i32
    return %arg0 : i32
  }
  func.func @transform_3(%arg0: i32) -> i32 {
    %c0_i32 = arith.constant 0 : i32
    return %arg0 : i32
  }
  func.func @transform_4(%arg0: i32) -> i32 {
    %c0_i32 = arith.constant 0 : i32
    return %arg0 : i32
  }
}

</mosaic_0001>

<sc_bundles>
// kernel: kernel.4.cloned.1.call-start
scs
__scs_entry_jumppad:
0x0: {  	(pc) =	sbr.rel $0x88, $3  }
0x1: {  	(tag) =	ssettag $0x0;
	lr =	simm.s32 $0x1  }
0x2: {  	[smem:$0x3F9D] =	sst lr;
	_ =	strace $0xD0000000  }
0x3: {  	_ = 	snop  }
0x4: {  	_ = 	snop  }
0x5: {  	_ = 	snop  }
0x6: {  	_ = 	snop  }
0x7: {  	_ = 	snop  }
__scs_overlays_trampoline_lowered:
0x8: {  	[smem:$0x3FAC] =	sst s0  }
0x9: {  	[smem:$0x3FAD] =	sst s1  }
0xa: {  	[smem:$0x3FAE] =	sst s2  }
0xb: {  	[smem:$0x3FAF] =	sst s3  }
0xc: {  	[smem:$0x3FB0] =	sst s4  }
0xd: {  	[smem:$0x3FB1] =	sst s5  }
0xe: {  	[smem:$0x3FB2] =	sst s6  }
0xf: {  	[smem:$0x3FB3] =	sst s7  }
0x10: {  	[smem:$0x3FB4] =	sst s8  }
0x11: {  	[smem:$0x3FB5] =	sst s9;
	s0 =	simm.s32 @!p0 $0x0  }
0x12: {  	s1 =	sld [smem:$0x3F9B];
	s0 =	simm.s32 @p0 $0x1  }
0x13: {  	[smem:$0x3FB6] =	sst s0;
	s0 =	simm.s32 @!p1 $0x0  }
0x14: {  	s2 =	sld [smem:$0x3F9A];
	s0 =	simm.s32 @p1 $0x1  }
0x15: {  	[smem:$0x3FB7] =	sst s0;
	s0 =	simm.s32 @!p2 $0x0  }
0x16: {  	s3 =	sld [smem:$0x3FDB];
	s0 =	simm.s32 @p2 $0x1  }
0x17: {  	s4 =	simm.s32 $0x1BF5;
	[smem:$0x3FB9] =	sst s0  }
0x18: {  	s0 =	sld [smem:$0x3F9C];
	_ =	swait.ge [sflag:s4], $0x0  }
0x19: {  	s7 =	sld [smem:$0x3F9D]  }
0x1a: {  	s8 =	sadd.s32 $0xFFFFE003, lr  }
0x1b: {  	s9 =	sadd.s32 $0xFFFFFEF7, lr;
	s5 =	simm.s32 $0xFFFFFFFF;
	p2 =	slt.u32 s8, $0xFFFFF086  }
0x1c: {  	p1 =	slt.u32 s9, $0xF7A;
	s5 =	simm.s32 @!p2 $0x0  }
0x1d: {  	s5 =	simm.s32 @p1 $0x1;
	p0 =	seq.s32 s7, s2  }
0x1e: {  	s7 =	smul.u32 @!p0 $0xF7A, s2;
	p2 =	seq.s32 @!p0 s5, $0x0  }
0x1f: {  	s9 =	smul.u32 $0xF7A, s1;
	s8 =	simm.s32 @!p0 $0x1BF5;
	p2 =	por !p2, p0  }
0x20: {  	[sflag:s8] =	ssyncset.s32 @!p0 $0xFFFFF086;
	s6 =	sadd.s32 @!p0 s3, s7;
	s7 =	simm.s32 @!p0 $0x108  }
0x21: {  	s3 =	sadd.s32 s3, s9;
	s6 =	sadd.s32 @!p0 $0x88, s6;
	s7 =	simm.s32 @p2 $0x1082  }
0x22: {  	[simem:s7], [sflag:s8] =	dma.local @!p0 [hbm:s6], $0xF7A  }
0x23: {  	s9 =	sor.u32 $0xD0000000, s2;
	s6 =	simm.s32 $0x108;
	_ =	swait.ge @!p0 [sflag:s8], $0x0  }
0x24: {  	s3 =	sadd.s32 $0x88, s3;
	s6 =	simm.s32 @!p1 $0x1082;
	[sflag:s4] =	ssyncset.s32 $0xFFFFF086  }
0x25: {  	[simem:s6], [sflag:s4] =	dma.local [hbm:s3], $0xF7A  }
0x26: {  	[smem:$0x3F9D] =	sst s1;
	(tag) =	ssettag s2;
	_ =	strace s9  }
0x27: {  	s1 =	sld [smem:$0x3FAD]  }
0x28: {  	s2 =	sld [smem:$0x3FAE]  }
0x29: {  	s4 =	sld [smem:$0x3FB0]  }
0x2a: {  	p0 =	seq.s32 s5, $0x0;
	s5 =	sld [smem:$0x3FB1]  }
0x2b: {  	s6 =	sld [smem:$0x3FB2]  }
0x2c: {  	s7 =	sld [smem:$0x3FB3]  }
0x2d: {  	s3 =	simm.s32 $0x108;
	s8 =	sld [smem:$0x3FB4]  }
0x2e: {  	s3 =	simm.s32 @!p0 $0x1082;
	s9 =	sld [smem:$0x3FB5]  }
0x2f: {  	lr =	sadd.s32 s0, s3;
	s0 =	sld [smem:$0x3FAC]  }
0x30: {  	s3 =	sld [smem:$0x3FAF]  }
0x31: {  	[smem:$0x3FB8] =	sst s10  }
0x32: {  	s10 =	sld [smem:$0x3FB6];
	_ =	sdelay $0x3  }
0x33: {  	p0 =	seq.s32 s10, $0x1;
	s10 =	sld [smem:$0x3FB8];
	_ =	sdelay $0x3  }
0x34: {  	[smem:$0x3FB8] =	sst s10  }
0x35: {  	s10 =	sld [smem:$0x3FB7];
	_ =	sdelay $0x3  }
0x36: {  	p1 =	seq.s32 s10, $0x1;
	s10 =	sld [smem:$0x3FB8];
	_ =	sdelay $0x3  }
0x37: {  	[smem:$0x3FB8] =	sst s10  }
0x38: {  	s10 =	sld [smem:$0x3FB9]  }
0x39: {  	_ = 	snop;
	(pc) =	sbr.ind lr, $3  }
0x3a: {  	_ = 	snop  }
0x3b: {  	_ = 	snop  }
0x3c: {  	p2 =	seq.s32 s10, $0x1;
	s10 =	sld [smem:$0x3FB8]  }
0x3d: {  	_ =	shalt  }
0x3e: {  	_ =	shalt  }
0x3f: {  	_ =	shalt  }
0x40: {  	_ =	shalt  }
0x41: {  	_ =	shalt  }
0x42: {  	_ =	shalt  }
0x43: {  	_ =	shalt  }
0x44: {  	_ =	shalt  }
0x45: {  	_ =	shalt  }
0x46: {  	_ =	shalt  }
0x47: {  	_ =	shalt  }
0x48: {  	_ =	shalt  }
0x49: {  	_ =	shalt  }
0x4a: {  	_ =	shalt  }
0x4b: {  	_ =	shalt  }
0x4c: {  	_ =	shalt  }
0x4d: {  	_ =	shalt  }
0x4e: {  	_ =	shalt  }
0x4f: {  	_ =	shalt  }
0x50: {  	_ =	shalt  }
0x51: {  	_ =	shalt  }
0x52: {  	_ =	shalt  }
0x53: {  	_ =	shalt  }
0x54: {  	_ =	shalt  }
0x55: {  	_ =	shalt  }
0x56: {  	_ =	shalt  }
0x57: {  	_ =	shalt  }
0x58: {  	_ =	shalt  }
0x59: {  	_ =	shalt  }
0x5a: {  	_ =	shalt  }
0x5b: {  	_ =	shalt  }
0x5c: {  	_ =	shalt  }
0x5d: {  	_ =	shalt  }
0x5e: {  	_ =	shalt  }
0x5f: {  	_ =	shalt  }
0x60: {  	_ =	shalt  }
0x61: {  	_ =	shalt  }
0x62: {  	_ =	shalt  }
0x63: {  	_ =	shalt  }
0x64: {  	_ =	shalt  }
0x65: {  	_ =	shalt  }
0x66: {  	_ =	shalt  }
0x67: {  	_ =	shalt  }
0x68: {  	_ =	shalt  }
0x69: {  	_ =	shalt  }
0x6a: {  	_ =	shalt  }
0x6b: {  	_ =	shalt  }
0x6c: {  	_ =	shalt  }
0x6d: {  	_ =	shalt  }
0x6e: {  	_ =	shalt  }
0x6f: {  	_ =	shalt  }
0x70: {  	_ =	shalt  }
0x71: {  	_ =	shalt  }
0x72: {  	_ =	shalt  }
0x73: {  	_ =	shalt  }
0x74: {  	_ =	shalt  }
0x75: {  	_ =	shalt  }
0x76: {  	_ =	shalt  }
0x77: {  	_ =	shalt  }
0x78: {  	_ =	shalt  }
0x79: {  	_ =	shalt  }
0x7a: {  	_ =	shalt  }
0x7b: {  	_ =	shalt  }
0x7c: {  	_ =	shalt  }
0x7d: {  	_ =	shalt  }
0x7e: {  	_ =	shalt  }
0x7f: {  	_ =	shalt  }
0x80: {  	_ =	shalt  }
0x81: {  	_ =	shalt  }
0x82: {  	_ =	shalt  }
0x83: {  	_ =	shalt  }
0x84: {  	_ =	shalt  }
0x85: {  	_ =	shalt  }
0x86: {  	_ =	shalt  }
0x87: {  	_ =	shalt  }
.Lfunc_end0:
.L_simem_size_0:
called_computation_lowered:
.L_overlay_start_0:
0x88: {  	s2 =	sld [smem:$0x3FD9]  }
0x89: {  	s3 =	sld [smem:$0x3FFE];
	_ =	sdelay $0x1  }
0x8a: {  	s1 =	srdreg.scid  }
0x8b: {  	s0 =	sand.u32 $0x1, s1  }
0x8c: {  	s17 =	sshll.u32 s0, $0xA;
	s2 =	sadd.s32 s3, s2  }
0x8d: {  	s2 =	sadd.s32 s2, s17  }
0x8e: {  	[smem:$0x3FC4] =	sst s2  }
0x8f: {  	_ = 	snop  }
0x90: {  	s2 =	sld [smem:$0x3FD0];
	(tm) =	ssettm $0x1  }
0x91: {  	s18 =	sld [smem:$0x3FFB];
	_ =	sdelay $0x3  }
0x92: {  	_ =	strace s18  }
0x93: {  	s3 =	sld [smem:$0x3FFC];
	_ =	sdelay $0x3  }
0x94: {  	_ =	strace s3  }
0x95: {  	s3 =	sld [smem:$0x3FFD];
	_ =	sdelay $0x3  }
0x96: {  	_ =	strace s3  }
0x97: {  	_ =	strace $0x8FFFFFFF  }
0x98: {  	s19 =	sld [smem:$0x3FDB];
	_ =	sdelay $0x1  }
0x99: {  	s4 =	simm.s32 $_scs_section_size  }
0x9a: {  	s5 =	simm.s32 $_size__tile_overlayer_lowered;
	s6 =	simm.s32 $_tile_overlayer_lowered  }
0x9b: {  	s22 =	simm.s32 $0x1BFF;
	s21 =	sshll.u32 s6, $0x1;
	s3 =	sadd.s32 s4, s19  }
0x9c: {  	s7 =	simm.s32 $0x0;
	s20 =	sshll.u32 s5, $0x1;
	s5 =	sadd.s32 s21, s3  }
0x9d: {  	[timem:s7], [sflag:s22] =	dma.local [hbm:s5], s20  }
0x9e: {  	_ =	swait.ge [sflag:s22], s20  }
0x9f: {  	s4 =	ssub.s32 $0x0, s20;
	[sflag:s22] =	ssyncset.done $0x0  }
0xa0: {  	[sflag:s22] =	ssyncadd.s32 s4;
	_ =	sdelay $0x1  }
0xa1: {  	s23 =	simm.s32 $0x1B8B  }
0xa2: {  	_ =	swait.ge [sflag:s23], $0x1  }
0xa3: {  	[sflag:s23] =	ssyncset.done $0x0  }
0xa4: {  	s25 =	simm.s32 $0x1B8E;
	s24 =	sld [smem:$0x3FFE];
	[sflag:s23] =	ssyncadd.s32 $0xFFFFFFFF  }
0xa5: {  	s26 =	simm.s32 $execute0_lowered;
	[smem:$0x3FD2] =	sst s25  }
0xa6: {  	s5 =	sshll.u32 s26, $0x1;
	_ =	strace $0x80000046;
	[dreg:$0x1] =	wrdreg $0xFFFFFFFF  }
0xa7: {  	s28 =	simm.s32 $_size_execute0_lowered;
	s3 =	sadd.s32 s3, s5;
	[dreg:$0x0] =	wrdreg $0x0  }
0xa8: {  	s5 =	sshll.u32 s28, $0x1;
	[dreg:$0x2] =	wrdreg s3  }
0xa9: {  	[dreg:$0x3] =	wrdreg s5  }
0xaa: {  	[dreg:$0x4] =	wrdreg $0xC0  }
0xab: {  	_ =	task [dreg:s7], $0x5FFFF  }
0xac: {  	[dreg:$0x1] =	wrdreg $0xFFFFFFFF  }
0xad: {  	[dreg:$0x0] =	wrdreg $0x60  }
0xae: {  	[dreg:$0x2] =	wrdreg s24  }
0xaf: {  	[dreg:$0x3] =	wrdreg s2  }
0xb0: {  	[dreg:$0x4] =	wrdreg $0x9  }
0xb1: {  	_ =	task.clear_ibuf [dreg:s7], $0x5FFFF;
	_ =	strace $0x90000046  }
0xb2: {  	s29 =	simm.s32 $0x9;
	_ =	strace $0x80000048  }
0xb3: {  	_ =	swait.ge [sflag:s29], $0x1  }
0xb4: {  	[sflag:s29] =	ssyncadd.s32 $0xFFFFFFFF  }
0xb5: {  	_ =	strace $0x90000048  }
0xb6: {  	_ =	sfence  }
0xb7: {  	s30 =	sld [smem:$0x0];
	_ =	sdelay $0x2  }
0xb8: {  	s31 =	sshll.u32 s1, $0xD;
	s1 =	sshrl.u32 s1, $0x2  }
0xb9: {  	s3 =	sand.u32 $0x4000, s31;
	s1 =	sadd.s32 s1, s30  }
0xba: {  	s0 =	sor.u32 s3, s0;
	s1 =	sshll.u32 s1, $0x11  }
0xbb: {  	s0 =	sor.u32 s1, s0  }
0xbc: {  	s0 =	sadd.s32 $0x8F2B, s0  }
0xbd: {  	[sflag:s0] =	ssyncadd.remote.s32 $0x1  }
0xbe: {  	_ =	sfence.sel $0xFFFF  }
0xbf: {  	[dreg:$0x0] =	wrdreg $0xFFFFFFFF;
	(pc) =	sbr.abs _section_cstart, $3  }
0xc0: {  	[dreg:$0x1] =	wrdreg $0xFFFFFFFF  }
0xc1: {  	_ =	task.clear_ibuf [dreg:s7], $0x2FFFF;
	_ =	strace $0x9FFFFFFF  }
0xc2: {  	(tm) =	ssettm $0x7FFFFFFF  }
0xc3: {  	_ =	shalt  }
tec
execute0_lowered:
.L_overlay_start_1:
0x0: {  	(tag) =	ssettag $0x1  }
0x1: {  	s0 =	rddreg [dreg:$0x0]  }
0x2: {  	s1 =	rddreg [dreg:$0x1]  }
0x3: {  	s2 =	simm.s32 $0x0;
	s3 =	srdreg.scid;
	s29 =	stileid.u32  }
0x4: {  	s13 =	simm.s32 $0x2;
	s15 =	simm.s32 $0x1;
	s16 =	simm.s32 $0x4000  }
0x5: {  	s17 =	simm.s32 $0xC000;
	s18 =	simm.s32 $0x400;
	s19 =	simm.s32 $0x14000  }
0x6: {  	s20 =	simm.s32 $0x14400;
	s21 =	simm.s32 $0x14800;
	[smem:$0x7FF] =	sst s2  }
0x7: {  	s4 =	sadd.s32 $0xB8400, s0;
	s5 =	sadd.s32 $0xF8400, s0;
	s3 =	sand.u32 $0x1, s3  }
0x8: {  	s6 =	sadd.s32 $0x1200, s0;
	s9 =	sshll.u32 s29, $0x10;
	s10 =	sadd.s32 $0x40000, s1  }
0x9: {  	_ =	strace $0x80000047;
	s7 =	ssub.s32 $0x2, s3;
	s3 =	sshll.u32 s3, $0xF  }
0xa: {  	[dreg:$0x3] =	wrdreg s4;
	s8 =	sshrl.u32 s7, $0x1;
	s3 =	sor.u32 s3, s9  }
0xb: {  	s9 =	sadd.s32 $0x20000, s1;
	s11 =	ssub.s32 s7, s8;
	s31 =	sshrl.u32 s3, $0x3  }
0xc: {  	v1 =	vimm.f32 $+Inf;
	s7 =	sadd.s32 $0x3E291, s0;
	s30 =	smax.u32 s11, $0x1;
	[dreg:$0x5] =	wrdreg s31  }
0xd: {  	v2 =	vimm.s32 $0x1E8480;
	v3 =	vlaneseq.u32;
	s8 =	sadd.s32 $0x7B322, s0;
	v0 =	vmov s3;
	s3 =	simm.s32 $0x0;
	[dreg:$0x4] =	wrdreg s30  }
.LBB2_1:
0xe: {  	[dreg:$0x6] =	wrdreg s3;
	s0 =	simm.s32 $0x0;
	s3 =	simm.s32 $0x0  }
.LBB2_2:
0xf: {  	p0 =	seq.s32 s3, $0x1FFC0  }
.Ltmp0:
0x10: {  	_ = 	snop;
	(pc) =	sbr.rel @!p0 .LBB2_2-.Ltmp0, $4  }
0x11: {  	s11 =	sand.u32 $0x1F000, s3  }
0x12: {  	s12 =	sshra.s32 s3, $0x2;
	s23 =	sand.u32 $0x3F0, s0;
	s11 =	sshrl.u32 s11, $0x2  }
0x13: {  	[tilespmem:s12+$0x4000] =	vst v1;
	s11 =	sor.u32 s23, s11  }
0x14: {  	s0 =	sadd.s32 $0x10, s0;
	s3 =	sadd.s32 $0x40, s3;
	[tilespmem:s11+$0xC000] =	vst v2  }
.Ltmp1:
0x15: {  	(pc) =	sbr.rel .LBB2_4-.Ltmp1, $2  }
0x16: {  	_ =	sdelay $0x2  }
0x17: {  	s23 =	simm.s32 $0x0;
	s24 =	simm.s32 $0x70;
	s25 =	simm.s32 $0x0  }
.LBB2_10:
0x18: {  	s25 =	sadd.s32 $0x1, s25  }
0x19: {  	p0 =	seq.s32 s25, $0x100  }
.Ltmp2:
0x1a: {  	_ = 	snop;
	(pc) =	sbr.rel @p0 .LBB2_11-.Ltmp2, $2  }
0x1b: {  	_ =	sdelay $0x2  }
0x1c: {  	s24 =	sadd.s32 $0x2000, s24  }
.LBB2_4:
0x1d: {  	s0 =	sshll.u32 s25, $0xA;
	s3 =	rddreg [dreg:$0x3]  }
0x1e: {  	s3 =	sadd.s32 s3, s0  }
0x1f: {  	[tilespmem:s23], [sflag:$0x2] =	stream.linear.gather [hbm4b:s3+s23], $0x2000, $0x38;
	[tilespmem:$0x1AC00] =	vst v63  }
0x20: {  	_ =	swait.ge [sflag:s13], $0x2000  }
0x21: {  	[sflag:s13] =	ssyncset.done $0x0  }
0x22: {  	s12 =	simm.s32 $0x2000;
	s0 =	sadd.s32 s5, s0;
	[sflag:s13] =	ssyncadd.s32 $0xFFFFE000  }
0x23: {  	[tilespmem:s12], [sflag:$0x2] =	stream.linear.gather [hbm4b:s0+s23], $0x2000, $0x38;
	[tilespmem:$0x1AC00] =	vst v63  }
0x24: {  	_ =	swait.ge [sflag:s13], $0x2000  }
0x25: {  	[sflag:s13] =	ssyncset.done $0x0  }
0x26: {  	s14 =	simm.s32 $0x40;
	[sflag:s13] =	ssyncadd.s32 $0xFFFFE000  }
0x27: {  	v4 =	vld [tilespmem:s14+$0x20]  }
0x28: {  	v5 =	vld [tilespmem:s14+$0x10]  }
0x29: {  	v6 =	vld [tilespmem:s14+$0x0]  }
0x2a: {  	v7 =	vld [tilespmem:s14+$0xFFFFFFC0]  }
0x2b: {  	v8 =	vld [tilespmem:s14+$0xFFFFFFD0]  }
0x2c: {  	v9 =	vld [tilespmem:s14+$0xFFFFFFE0]  }
0x2d: {  	v10 =	vld [tilespmem:s14+$0xFFFFFFF0];
	_ =	sdelay $0x1  }
0x2e: {  	v7 =	vsub.s32 v7, v0;
	v11 =	vsub.s32 v5, v0;
	v13 =	vsub.s32 v4, v0  }
0x2f: {  	v5 =	vsub.s32 v8, v0;
	v6 =	vsub.s32 v6, v0;
	vm1 =	vlt.u32 v7, $0x8000  }
0x30: {  	v8 =	vsub.s32 v9, v0;
	vm0 =	vlt.u32 v5, $0x8000;
	v4 =	vmpcnt.ones.xlane vm1  }
0x31: {  	v10 =	vsub.s32 v10, v0;
	vm7 =	vlt.u32 v8, $0x8000;
	v9 =	vmpcnt.ones.xlane vm0  }
0x32: {  	vm3 =	vlt.u32 v10, $0x8000;
	v12 =	vmpcnt.ones.xlane vm7;
	(v2sf) =	vpush v4, $0x0  }
0x33: {  	vm4 =	vlt.u32 v6, $0x8000;
	v4 =	vmpcnt.ones.xlane vm3;
	(v2sf) =	vpush v9, $0x0  }
0x34: {  	vm6 =	vlt.u32 v11, $0x8000;
	v9 =	vmpcnt.ones.xlane vm4;
	(v2sf) =	vpush v12, $0x0  }
0x35: {  	vm2 =	vlt.u32 v13, $0x8000;
	v12 =	vmpcnt.ones.xlane vm6;
	(v2sf) =	vpush v4, $0x0  }
0x36: {  	s3 =	simm.s32 $0x2040;
	v4 =	vmpcnt.ones.xlane vm2;
	(v2sf) =	vpush v9, $0x0  }
0x37: {  	v19 =	vld [tilespmem:s3+$0xFFFFFFE0];
	(v2sf) =	vpush v12, $0x0  }
0x38: {  	v18 =	vld [tilespmem:s3+$0xFFFFFFF0];
	(v2sf) =	vpush v4, $0x0  }
0x39: {  	v15 =	vld [tilespmem:s3+$0x0]  }
0x3a: {  	s22 =	simm.s32 $0xC0;
	v9 =	vld [tilespmem:s14+$0x30]  }
0x3b: {  	v14 =	vld [tilespmem:s22+$0x30]  }
0x3c: {  	v12 =	vld [tilespmem:s3+$0xFFFFFFC0]  }
0x3d: {  	v16 =	vld [tilespmem:s22+$0x20]  }
0x3e: {  	v17 =	vld [tilespmem:s22+$0x10]  }
0x3f: {  	v20 =	vld [tilespmem:s22+$0x0];
	v9 =	vsub.s32 v9, v0  }
0x40: {  	s11 =	sadd.s32 $0xFFFFFF90, s24;
	v22 =	vld [tilespmem:s22+$0xFFFFFFD0];
	[tilespmem:s23+$0x14C00] =	vst.msk vm1, v7;
	vm5 =	vlt.u32 v9, $0x8000  }
0x41: {  	v21 =	vor.u32 s11, v3;
	v7 =	vld [tilespmem:s22+$0xFFFFFFC0];
	[tilespmem:s23+$0x16C00] =	vst.msk vm1, v12;
	v12 =	vmpcnt.ones.xlane vm5;
	s4 =	spop (v2sf)  }
0x42: {  	v23 =	vld [tilespmem:s22+$0xFFFFFFF0];
	vm0 =	vmmov vm0;
	[tilespmem:s23+$0x18C00] =	vst.msk vm1, v21;
	s26 =	sadd.s32 $0x0, s4;
	s12 =	spop (v2sf)  }
0x43: {  	v4 =	vld [tilespmem:s3+$0xFFFFFFD0];
	vm1 =	vmmov vm7;
	(v2sf) =	vpush v12, $0x0;
	[tilespmem:s26+$0x14C00] =	vst.msk vm0, v5;
	s28 =	sadd.s32 s26, s12;
	s14 =	spop (v2sf)  }
0x44: {  	s30 =	sadd.s32 $0xFFFFFFF0, s24;
	v63 =	vld [tilespmem:s22+$0xFFFFFFE0];
	vm3 =	vmmov vm3;
	[tilespmem:s28+$0x14C00] =	vst.msk vm1, v8;
	s0 =	sadd.s32 s28, s14;
	s22 =	spop (v2sf)  }
0x45: {  	v25 =	vor.u32 s24, v3;
	v28 =	vor.u32 s30, v3;
	v26 =	vld [tilespmem:s3+$0x10];
	vm4 =	vmmov vm4;
	[tilespmem:s0+$0x14C00] =	vst.msk vm3, v10;
	s11 =	sadd.s32 s0, s22;
	s29 =	spop (v2sf)  }
0x46: {  	v29 =	vld [tilespmem:s3+$0x20];
	vm6 =	vmmov vm6;
	v12 =	vsub.s32 v7, v0;
	v7 =	vsub.s32 v17, v0;
	[tilespmem:s11+$0x14C00] =	vst.msk vm4, v6;
	s29 =	sadd.s32 s11, s29;
	s31 =	spop (v2sf)  }
0x47: {  	v24 =	vld [tilespmem:s3+$0x30];
	vm7 =	vlt.u32 v12, $0x8000;
	s12 =	sadd.s32 $0xFFFFFFE0, s24;
	v5 =	vsub.s32 v14, v0;
	v14 =	vsub.s32 v23, v0;
	[tilespmem:s29+$0x14C00] =	vst.msk vm6, v11;
	s4 =	sadd.s32 s29, s31;
	s14 =	spop (v2sf)  }
0x48: {  	v27 =	vor.u32 s12, v3;
	v8 =	vsub.s32 v20, v0;
	v10 =	vsub.s32 v22, v0;
	[tilespmem:s4+$0x14C00] =	vst.msk vm2, v13;
	s3 =	sadd.s32 s4, s14  }
0x49: {  	vm8 =	vlt.u32 v10, $0x8000;
	v11 =	vsub.s32 v63, v0;
	[tilespmem:s3+$0x14C00] =	vst.msk vm5, v9;
	v9 =	vmpcnt.ones.xlane vm7  }
0x4a: {  	vm10 =	vlt.u32 v14, $0x8000;
	vm9 =	vlt.u32 v11, $0x8000;
	v13 =	vmpcnt.ones.xlane vm8;
	[tilespmem:s29+$0x16C00] =	vst.msk vm6, v26  }
0x4b: {  	v6 =	vsub.s32 v16, v0;
	v16 =	vmpcnt.ones.xlane vm9;
	[tilespmem:s4+$0x16C00] =	vst.msk vm2, v29;
	(v2sf) =	vpush v9, $0x0  }
0x4c: {  	vm11 =	vlt.u32 v8, $0x8000;
	[tilespmem:s3+$0x16C00] =	vst.msk vm5, v24;
	v9 =	vmpcnt.ones.xlane vm10;
	(v2sf) =	vpush v13, $0x0  }
0x4d: {  	[tilespmem:s3+$0x18C00] =	vst.msk vm5, v25;
	vm5 =	vlt.u32 v7, $0x8000;
	v13 =	vmpcnt.ones.xlane vm11;
	(v2sf) =	vpush v16, $0x0  }
0x4e: {  	[tilespmem:s4+$0x18C00] =	vst.msk vm2, v28;
	vm2 =	vlt.u32 v6, $0x8000;
	v16 =	vmpcnt.ones.xlane vm5;
	(v2sf) =	vpush v9, $0x0  }
0x4f: {  	[tilespmem:s29+$0x18C00] =	vst.msk vm6, v27;
	vm6 =	vlt.u32 v5, $0x8000;
	v9 =	vmpcnt.ones.xlane vm2;
	(v2sf) =	vpush v13, $0x0  }
0x50: {  	s29 =	simm.s32 $0x20C0;
	v20 =	vmpcnt.ones.xlane vm6;
	(v2sf) =	vpush v16, $0x0  }
0x51: {  	[tilespmem:s28+$0x16C00] =	vst.msk vm1, v19;
	v17 =	vld [tilespmem:s29+$0xFFFFFFC0];
	(v2sf) =	vpush v9, $0x0  }
0x52: {  	s22 =	sadd.s32 $0xFFFFFFD0, s24;
	[tilespmem:s11+$0x16C00] =	vst.msk vm4, v15;
	v15 =	vld [tilespmem:s29+$0xFFFFFFD0];
	s14 =	spop (v2sf);
	(v2sf) =	vpush v20, $0x0  }
0x53: {  	[tilespmem:s0+$0x16C00] =	vst.msk vm3, v18;
	s4 =	sadd.s32 $0xFFFFFFC0, s24;
	v13 =	vor.u32 s22, v3;
	v16 =	vld [tilespmem:s29+$0xFFFFFFE0]  }
0x54: {  	s30 =	simm.s32 $0x8;
	vm5 =	vmmov vm5;
	s22 =	sadd.s32 $0xFFFFFFB0, s24;
	[tilespmem:s11+$0x18C00] =	vst.msk vm4, v13;
	v13 =	vor.u32 s4, v3;
	v9 =	vld [tilespmem:s29+$0xFFFFFFF0]  }
0x55: {  	s31 =	smov.u32 s24;
	vm4 =	vmmov vm11;
	v18 =	vor.u32 s22, v3;
	[tilespmem:s0+$0x18C00] =	vst.msk vm3, v13;
	s3 =	sadd.s32 s3, s14;
	vm3 =	vmmov vm10;
	v13 =	vld [tilespmem:s29+$0x0];
	s0 =	simm.s32 $0x140  }
.LBB2_5:
0x56: {  	v19 =	vld [tilespmem:s0+$0x30];
	s11 =	sadd.s32 $0xFFFFFFA0, s31;
	[tilespmem:s28+$0x18C00] =	vst.msk vm1, v18;
	vm1 =	vmmov vm9  }
0x57: {  	v18 =	vld [tilespmem:s0+$0x20];
	v21 =	vor.u32 s11, v3;
	[tilespmem:s26+$0x16C00] =	vst.msk vm0, v4;
	v4 =	vmov v15  }
0x58: {  	s31 =	sadd.s32 $0x80, s31;
	v15 =	vld [tilespmem:s0+$0x10];
	[tilespmem:s26+$0x18C00] =	vst.msk vm0, v21;
	v20 =	vmov v16;
	vm0 =	vmmov vm8  }
0x59: {  	s11 =	sadd.s32 $0xFFFFFF90, s31;
	v16 =	vld [tilespmem:s0+$0x0];
	[tilespmem:s3+$0x14C00] =	vst.msk vm7, v12  }
0x5a: {  	s30 =	sadd.s32 $0x8, s30;
	v21 =	vor.u32 s11, v3;
	v12 =	vld [tilespmem:s0+$0xFFFFFFC0];
	[tilespmem:s3+$0x16C00] =	vst.msk vm7, v17;
	s11 =	spop (v2sf)  }
0x5b: {  	p0 =	slt.u32 s30, $0x1F8;
	v17 =	vld [tilespmem:s0+$0xFFFFFFD0];
	[tilespmem:s3+$0x18C00] =	vst.msk vm7, v21;
	s26 =	sadd.s32 s3, s11;
	s3 =	spop (v2sf)  }
0x5c: {  	v21 =	vld [tilespmem:s0+$0xFFFFFFE0];
	[tilespmem:s26+$0x14C00] =	vst.msk vm0, v10;
	s28 =	sadd.s32 s26, s3;
	s3 =	sadd.s32 $0xFFFFFFE0, s31;
	s11 =	spop (v2sf)  }
0x5d: {  	s22 =	sadd.s32 $0xFFFFFFF0, s31;
	v23 =	vor.u32 s31, v3;
	v22 =	vld [tilespmem:s0+$0xFFFFFFF0];
	[tilespmem:s28+$0x14C00] =	vst.msk vm1, v11;
	s11 =	sadd.s32 s28, s11;
	s12 =	spop (v2sf)  }
0x5e: {  	v25 =	vor.u32 s22, v3;
	v19 =	vsub.s32 v19, v0;
	v24 =	vor.u32 s3, v3;
	[tilespmem:s11+$0x14C00] =	vst.msk vm3, v14;
	s12 =	sadd.s32 s11, s12;
	v26 =	vld [tilespmem:s29+$0x30];
	s3 =	spop (v2sf)  }
0x5f: {  	v11 =	vsub.s32 v15, v0;
	v14 =	vsub.s32 v18, v0;
	v12 =	vsub.s32 v12, v0;
	[tilespmem:s12+$0x14C00] =	vst.msk vm4, v8;
	s22 =	sadd.s32 s12, s3;
	v15 =	vld [tilespmem:s29+$0x10];
	s3 =	spop (v2sf)  }
0x60: {  	v8 =	vsub.s32 v16, v0;
	vm7 =	vlt.u32 v12, $0x8000;
	v10 =	vsub.s32 v17, v0;
	[tilespmem:s22+$0x14C00] =	vst.msk vm5, v7;
	s14 =	sadd.s32 s22, s3;
	v16 =	vld [tilespmem:s29+$0x20];
	s3 =	spop (v2sf);
	v7 =	vmovc v11  }
0x61: {  	v17 =	vmpcnt.ones.xlane vm7;
	vm8 =	vlt.u32 v10, $0x8000;
	v11 =	vsub.s32 v21, v0;
	[tilespmem:s14+$0x14C00] =	vst.msk vm2, v6;
	s4 =	sadd.s32 s14, s3;
	s3 =	spop (v2sf);
	v6 =	vmovc v14  }
0x62: {  	v18 =	vmpcnt.ones.xlane vm8;
	vm9 =	vlt.u32 v11, $0x8000;
	v14 =	vsub.s32 v22, v0;
	[tilespmem:s4+$0x14C00] =	vst.msk vm6, v5;
	s3 =	sadd.s32 s4, s3;
	v5 =	vmovc v19  }
0x63: {  	v19 =	vmpcnt.ones.xlane vm9;
	vm10 =	vlt.u32 v14, $0x8000;
	(v2sf) =	vpush v17, $0x0;
	[tilespmem:s4+$0x16C00] =	vst.msk vm6, v26  }
0x64: {  	vm11 =	vlt.u32 v8, $0x8000;
	v17 =	vmpcnt.ones.xlane vm10;
	(v2sf) =	vpush v18, $0x0;
	[tilespmem:s4+$0x18C00] =	vst.msk vm6, v23  }
0x65: {  	vm12 =	vlt.u32 v7, $0x8000;
	v18 =	vmpcnt.ones.xlane vm11;
	(v2sf) =	vpush v19, $0x0;
	[tilespmem:s14+$0x16C00] =	vst.msk vm2, v16  }
0x66: {  	v16 =	vmpcnt.ones.xlane vm12;
	(v2sf) =	vpush v17, $0x0;
	[tilespmem:s14+$0x18C00] =	vst.msk vm2, v25;
	vm2 =	vlt.u32 v6, $0x8000  }
0x67: {  	vm6 =	vlt.u32 v5, $0x8000;
	v19 =	vmpcnt.ones.xlane vm2;
	(v2sf) =	vpush v18, $0x0;
	[tilespmem:s22+$0x16C00] =	vst.msk vm5, v15  }
0x68: {  	s29 =	sadd.s32 $0x80, s29;
	s4 =	sadd.s32 $0xFFFFFFD0, s31;
	v18 =	vmpcnt.ones.xlane vm6;
	(v2sf) =	vpush v16, $0x0;
	[tilespmem:s22+$0x18C00] =	vst.msk vm5, v24;
	vm5 =	vmmov vm12  }
.Ltmp3:
0x69: {  	v16 =	vor.u32 s4, v3;
	v17 =	vld [tilespmem:s29+$0xFFFFFFC0];
	(v2sf) =	vpush v19, $0x0;
	[tilespmem:s12+$0x16C00] =	vst.msk vm4, v13;
	(pc) =	sbr.rel @p0 .LBB2_5-.Ltmp3, $4  }
0x6a: {  	s4 =	sadd.s32 $0xFFFFFFC0, s31;
	v15 =	vld [tilespmem:s29+$0xFFFFFFD0];
	(v2sf) =	vpush v18, $0x0;
	[tilespmem:s12+$0x18C00] =	vst.msk vm4, v16;
	vm4 =	vmmov vm11  }
0x6b: {  	v13 =	vor.u32 s4, v3;
	v16 =	vld [tilespmem:s29+$0xFFFFFFE0];
	[tilespmem:s11+$0x16C00] =	vst.msk vm3, v9  }
0x6c: {  	s4 =	sadd.s32 $0xFFFFFFB0, s31;
	v9 =	vld [tilespmem:s29+$0xFFFFFFF0];
	[tilespmem:s11+$0x18C00] =	vst.msk vm3, v13;
	vm3 =	vmmov vm10  }
0x6d: {  	s0 =	sadd.s32 $0x80, s0;
	v18 =	vor.u32 s4, v3;
	v13 =	vld [tilespmem:s29+$0x0];
	[tilespmem:s28+$0x16C00] =	vst.msk vm1, v20  }
0x6e: {  	_ =	sdelay $0x1  }
0x6f: {  	[tilespmem:s26+$0x16C00] =	vst.msk vm0, v4;
	s11 =	sadd.s32 $0x80, s31  }
0x70: {  	[tilespmem:s3+$0x14C00] =	vst.msk vm7, v12;
	s30 =	sadd.s32 $0xFFFFFF90, s11  }
0x71: {  	s0 =	sadd.s32 $0xFFFFFFA0, s31;
	[tilespmem:s3+$0x16C00] =	vst.msk vm7, v17;
	v4 =	vor.u32 s30, v3;
	s31 =	spop (v2sf)  }
0x72: {  	[tilespmem:s3+$0x18C00] =	vst.msk vm7, v4;
	s3 =	sadd.s32 s3, s31;
	s4 =	spop (v2sf)  }
0x73: {  	s4 =	sadd.s32 s3, s4;
	s12 =	spop (v2sf)  }
0x74: {  	[tilespmem:s28+$0x18C00] =	vst.msk vm1, v18;
	v62 =	vld [tilespmem:s29+$0x10];
	v61 =	vor.u32 s0, v3;
	s12 =	sadd.s32 s4, s12;
	s14 =	spop (v2sf)  }
0x75: {  	[tilespmem:s26+$0x18C00] =	vst.msk vm0, v61;
	s14 =	sadd.s32 s12, s14;
	s22 =	spop (v2sf)  }
0x76: {  	v63 =	vld [tilespmem:s29+$0x20];
	[tilespmem:s12+$0x14C00] =	vst.msk vm3, v14;
	s22 =	sadd.s32 s14, s22;
	s26 =	spop (v2sf)  }
0x77: {  	v4 =	vld [tilespmem:s29+$0x30];
	[tilespmem:s22+$0x14C00] =	vst.msk vm5, v7;
	s0 =	sadd.s32 s22, s26  }
0x78: {  	s28 =	spop (v2sf);
	[tilespmem:s0+$0x14C00] =	vst.msk vm2, v6  }
0x79: {  	s26 =	sadd.s32 s0, s28;
	[tilespmem:s22+$0x16C00] =	vst.msk vm5, v62  }
0x7a: {  	[tilespmem:s26+$0x14C00] =	vst.msk vm6, v5  }
0x7b: {  	s29 =	sadd.s32 $0xFFFFFFF0, s11;
	[tilespmem:s0+$0x16C00] =	vst.msk vm2, v63  }
0x7c: {  	s30 =	sadd.s32 $0xFFFFFFE0, s11;
	s31 =	spop (v2sf);
	[tilespmem:s26+$0x16C00] =	vst.msk vm6, v4;
	v4 =	vor.u32 s29, v3  }
0x7d: {  	[tilespmem:s0+$0x18C00] =	vst.msk vm2, v4;
	v4 =	vor.u32 s30, v3;
	s0 =	sadd.s32 s26, s31  }
0x7e: {  	[tilespmem:s22+$0x18C00] =	vst.msk vm5, v4;
	s22 =	sadd.s32 $0xF, s0  }
0x7f: {  	[tilespmem:s14+$0x14C00] =	vst.msk vm4, v8;
	s28 =	sadd.s32 $0xFFFFFFD0, s11;
	s30 =	sand.u32 $0xF, s22  }
0x80: {  	[tilespmem:s14+$0x16C00] =	vst.msk vm4, v13;
	v4 =	vor.u32 s28, v3;
	s31 =	sshra.s32 s22, $0x1F;
	p0 =	slt.s32 s22, $0x1;
	p1 =	sne.s32 s30, $0x0  }
0x81: {  	s29 =	sadd.s32 $0xFFFFFFC0, s11;
	[tilespmem:s14+$0x18C00] =	vst.msk vm4, v4;
	s14 =	sshrl.u32 s31, $0x1C;
	p0 =	por !p0, !p1  }
0x82: {  	[tilespmem:s12+$0x16C00] =	vst.msk vm3, v9;
	v4 =	vor.u32 s29, v3;
	s30 =	sadd.s32 s14, s22;
	s14 =	simm.s32 $0x1;
	p0 =	por !p0, !p0  }
0x83: {  	vm14 =	vmmov vm8;
	[tilespmem:s12+$0x18C00] =	vst.msk vm3, v4;
	s12 =	sshra.s32 s30, $0x4;
	s14 =	simm.s32 @!p0 $0x0  }
0x84: {  	vm15 =	vmmov vm9;
	[tilespmem:s3+$0x14C00] =	vst.msk vm14, v10;
	v5 =	vor.u32 s11, v3;
	s29 =	sadd.s32 $0xFFFFFFB0, s11;
	s31 =	sadd.s32 $0xFFFFFFA0, s11;
	s11 =	ssub.s32 s12, s14  }
0x85: {  	[tilespmem:s4+$0x14C00] =	vst.msk vm15, v11;
	p0 =	slt.s32 s11, $0x1  }
.Ltmp4:
0x86: {  	[tilespmem:s3+$0x16C00] =	vst.msk vm14, v15;
	(pc) =	sbr.rel @!p0 .LBB2_7-.Ltmp4, $4  }
.Ltmp5:
0x87: {  	[tilespmem:s4+$0x16C00] =	vst.msk vm15, v16;
	(pc) =	sbr.rel @p0 .LBB2_10-.Ltmp5, $4  }
0x88: {  	[tilespmem:s26+$0x18C00] =	vst.msk vm6, v5;
	v4 =	vor.u32 s29, v3  }
0x89: {  	[tilespmem:s4+$0x18C00] =	vst.msk vm15, v4;
	v4 =	vor.u32 s31, v3  }
0x8a: {  	[tilespmem:s3+$0x18C00] =	vst.msk vm14, v4;
	s3 =	simm.s32 $0x0  }
0x8b: {  	_ = 	snop  }
.LBB2_9:
0x8c: {  	vm1 =	veq.f32 v5, v6  }
0x8d: {  	s3 =	sadd.s32 $0x1, s3;
	vm0 =	vmand vm0, vm1  }
0x8e: {  	p0 =	sne.s32 s3, s11  }
.Ltmp6:
0x8f: {  	_ = 	snop;
	(pc) =	sbr.rel @!p0 .LBB2_10-.Ltmp6, $2  }
0x90: {  	_ =	sdelay $0x2  }
0x91: {  	[tilespmem:v4+s17+$0x0] =	vst.idx.msk vm0, v7  }
.LBB2_7:
0x92: {  	s4 =	sshll.u32 s3, $0x4  }
0x93: {  	v4 =	vld [tilespmem:s4+$0x14C00];
	_ =	sdelay $0x4  }
0x94: {  	v4 =	vand.u32 $0x7FFF, v4;
	_ =	sdelay $0x3  }
0x95: {  	v5 =	vld [tilespmem:s4+$0x16C00]  }
0x96: {  	v6 =	vld.idx.msk [tilespmem:v4+s16+$0x0], $0xffff;
	_ =	sdelay $0x2  }
0x97: {  	s12 =	ssub.s32 s0, s4  }
0x98: {  	v7 =	vmov s12  }
0x99: {  	vm0 =	vgt.s32 v7, v3;
	vm1 =	vlt.f32 v5, v6  }
0x9a: {  	vm1 =	vmand vm0, vm1  }
0x9b: {  	v7 =	vmpcnt.ones.xlane vm1;
	_ =	sdelay $0x1  }
0x9c: {  	(v2sf) =	vpush v7, $0x0;
	_ =	sdelay $0xe  }
0x9d: {  	s31 =	spop (v2sf)  }
0x9e: {  	p0 =	slt.s32 s31, $0x1  }
.Ltmp7:
0x9f: {  	_ = 	snop;
	(pc) =	sbr.rel @p0 .LBB2_9-.Ltmp7, $2  }
0xa0: {  	_ =	sdelay $0x2  }
0xa1: {  	v7 =	vld [tilespmem:s4+$0x18C00]  }
.LBB2_8:
0xa2: {  	[tilespmem:v4+s16+$0x0] =	vst.idx.msk vm1, v5  }
0xa3: {  	v6 =	vld.idx.msk [tilespmem:v4+s16+$0x0], $0xffff;
	_ =	sdelay $0x4  }
0xa4: {  	vm1 =	vlt.f32 v5, v6  }
0xa5: {  	vm1 =	vmand vm0, vm1  }
0xa6: {  	v8 =	vmpcnt.ones.xlane vm1;
	_ =	sdelay $0x1  }
0xa7: {  	(v2sf) =	vpush v8, $0x0;
	_ =	sdelay $0xe  }
0xa8: {  	s4 =	spop (v2sf)  }
0xa9: {  	p0 =	sgt.s32 s4, $0x0  }
.Ltmp8:
0xaa: {  	_ = 	snop;
	(pc) =	sbr.rel @p0 .LBB2_8-.Ltmp8, $1  }
0xab: {  	_ =	sdelay $0x3  }
.Ltmp9:
0xac: {  	_ = 	snop;
	(pc) =	sbr.rel .LBB2_9-.Ltmp9, $1  }
0xad: {  	_ =	sdelay $0x3  }
.LBB2_11:
0xae: {  	s0 =	simm.s32 $0xC000  }
0xaf: {  	[tilespmem:s19], [sflag:$0x1] =	stream.indirect.gather [hbm4b:s6+s18], $0x1, s0, s18, $0xb8;
	[tilespmem:$0x1AC00] =	vst v63  }
0xb0: {  	_ = 	snop  }
0xb1: {  	[tilespmem:s20], [sflag:$0x1] =	stream.indirect.gather [hbm4b:s7+s18], $0x1, s0, s18, $0xb8;
	[tilespmem:$0x1AC00] =	vst v63  }
0xb2: {  	_ = 	snop  }
0xb3: {  	[tilespmem:s21], [sflag:$0x1] =	stream.indirect.gather [hbm4b:s8+s18], $0x1, s0, s18, $0xb8;
	[tilespmem:$0x1AC00] =	vst v63  }
0xb4: {  	_ =	swait.ge [sflag:s15], $0x400  }
0xb5: {  	[sflag:s15] =	ssyncset.done $0x0  }
0xb6: {  	[sflag:s15] =	ssyncadd.s32 $0xFFFFFC00  }
0xb7: {  	_ =	swait.ge [sflag:s15], $0x400  }
0xb8: {  	[sflag:s15] =	ssyncset.done $0x0  }
0xb9: {  	[sflag:s15] =	ssyncadd.s32 $0xFFFFFC00  }
0xba: {  	_ =	swait.ge [sflag:s15], $0x400  }
0xbb: {  	[sflag:s15] =	ssyncset.done $0x0;
	s4 =	rddreg [dreg:$0x5]  }
0xbc: {  	[sflag:s15] =	ssyncadd.s32 $0xFFFFFC00;
	s29 =	sadd.s32 s4, s1  }
0xbd: {  	[hbm4b:s29+s2] =	stream.linear.scatter [tilespmem:s19], [sflag:$0x2], $0x400, $0x38;
	[tilespmem:$0x1AC00] =	vst v63  }
0xbe: {  	_ =	swait.ge [sflag:s13], $0x400  }
0xbf: {  	[sflag:s13] =	ssyncset.done $0x0  }
0xc0: {  	s30 =	sadd.s32 s4, s9;
	[sflag:s13] =	ssyncadd.s32 $0xFFFFFC00  }
0xc1: {  	[hbm4b:s30+s2] =	stream.linear.scatter [tilespmem:s20], [sflag:$0x2], $0x400, $0x38;
	[tilespmem:$0x1AC00] =	vst v63  }
0xc2: {  	_ =	swait.ge [sflag:s13], $0x400  }
0xc3: {  	[sflag:s13] =	ssyncset.done $0x0  }
0xc4: {  	s31 =	sadd.s32 s4, s10;
	[sflag:s13] =	ssyncadd.s32 $0xFFFFFC00  }
0xc5: {  	[hbm4b:s31+s2] =	stream.linear.scatter [tilespmem:s21], [sflag:$0x2], $0x400, $0x38;
	[tilespmem:$0x1AC00] =	vst v63  }
0xc6: {  	s3 =	simm.s32 $0x2000;
	_ =	swait.ge [sflag:s13], $0x400  }
0xc7: {  	s11 =	simm.s32 $0x400;
	s0 =	sadd.s32 $0x80, s4;
	[sflag:s13] =	ssyncset.done $0x0  }
.LBB2_12:
0xc8: {  	s4 =	sadd.s32 $0xC000, s11  }
0xc9: {  	[sflag:s13] =	ssyncadd.s32 $0xFFFFFC00;
	s11 =	smov.u32 s3;
	s12 =	sadd.s32 $0x1000, s3  }
0xca: {  	[tilespmem:s19], [sflag:$0x1] =	stream.indirect.gather [hbm4b:s6+s18], $0x1, s4, s18, $0xb8;
	[tilespmem:$0x1AC00] =	vst v63  }
0xcb: {  	p0 =	sne.s32 s3, $0x1F000  }
0xcc: {  	[tilespmem:s20], [sflag:$0x1] =	stream.indirect.gather [hbm4b:s7+s18], $0x1, s4, s18, $0xb8;
	[tilespmem:$0x1AC00] =	vst v63  }
0xcd: {  	_ = 	snop  }
0xce: {  	[tilespmem:s21], [sflag:$0x1] =	stream.indirect.gather [hbm4b:s8+s18], $0x1, s4, s18, $0xb8;
	[tilespmem:$0x1AC00] =	vst v63  }
0xcf: {  	_ =	swait.ge [sflag:s15], $0x400  }
0xd0: {  	[sflag:s15] =	ssyncset.done $0x0  }
0xd1: {  	[sflag:s15] =	ssyncadd.s32 $0xFFFFFC00  }
0xd2: {  	_ =	swait.ge [sflag:s15], $0x400  }
0xd3: {  	[sflag:s15] =	ssyncset.done $0x0  }
0xd4: {  	[sflag:s15] =	ssyncadd.s32 $0xFFFFFC00  }
0xd5: {  	_ =	swait.ge [sflag:s15], $0x400  }
0xd6: {  	[sflag:s15] =	ssyncset.done $0x0  }
0xd7: {  	s3 =	sadd.s32 s0, s1;
	[sflag:s15] =	ssyncadd.s32 $0xFFFFFC00  }
0xd8: {  	[hbm4b:s3+s2] =	stream.linear.scatter [tilespmem:s19], [sflag:$0x2], $0x400, $0x38;
	[tilespmem:$0x1AC00] =	vst v63  }
0xd9: {  	_ =	swait.ge [sflag:s13], $0x400  }
0xda: {  	[sflag:s13] =	ssyncset.done $0x0  }
0xdb: {  	s3 =	sadd.s32 s0, s9;
	[sflag:s13] =	ssyncadd.s32 $0xFFFFFC00  }
0xdc: {  	[hbm4b:s3+s2] =	stream.linear.scatter [tilespmem:s20], [sflag:$0x2], $0x400, $0x38;
	[tilespmem:$0x1AC00] =	vst v63  }
0xdd: {  	_ =	swait.ge [sflag:s13], $0x400  }
.Ltmp10:
0xde: {  	[sflag:s13] =	ssyncset.done $0x0;
	(pc) =	sbr.rel @p0 .LBB2_12-.Ltmp10, $4  }
0xdf: {  	s3 =	sadd.s32 s0, s10;
	[sflag:s13] =	ssyncadd.s32 $0xFFFFFC00  }
0xe0: {  	[hbm4b:s3+s2] =	stream.linear.scatter [tilespmem:s21], [sflag:$0x2], $0x400, $0x38;
	[tilespmem:$0x1AC00] =	vst v63  }
0xe1: {  	s11 =	sshra.s32 s11, $0x2;
	_ =	swait.ge [sflag:s13], $0x400  }
0xe2: {  	s0 =	sadd.s32 $0x80, s0;
	s3 =	smov.u32 s12;
	[sflag:s13] =	ssyncset.done $0x0  }
0xe3: {  	s3 =	sadd.s32 $0xC000, s11;
	[sflag:s13] =	ssyncadd.s32 $0xFFFFFC00  }
0xe4: {  	[tilespmem:s19], [sflag:$0x1] =	stream.indirect.gather [hbm4b:s6+s18], $0x1, s3, s18, $0xb8;
	[tilespmem:$0x1AC00] =	vst v63  }
0xe5: {  	_ = 	snop  }
0xe6: {  	[tilespmem:s20], [sflag:$0x1] =	stream.indirect.gather [hbm4b:s7+s18], $0x1, s3, s18, $0xb8;
	[tilespmem:$0x1AC00] =	vst v63  }
0xe7: {  	_ = 	snop  }
0xe8: {  	[tilespmem:s21], [sflag:$0x1] =	stream.indirect.gather [hbm4b:s8+s18], $0x1, s3, s18, $0xb8;
	[tilespmem:$0x1AC00] =	vst v63  }
0xe9: {  	_ =	swait.ge [sflag:s15], $0x400  }
0xea: {  	[sflag:s15] =	ssyncset.done $0x0  }
0xeb: {  	[sflag:s15] =	ssyncadd.s32 $0xFFFFFC00  }
0xec: {  	_ =	swait.ge [sflag:s15], $0x400  }
0xed: {  	[sflag:s15] =	ssyncset.done $0x0  }
0xee: {  	[sflag:s15] =	ssyncadd.s32 $0xFFFFFC00  }
0xef: {  	_ =	swait.ge [sflag:s15], $0x400  }
0xf0: {  	[sflag:s15] =	ssyncset.done $0x0  }
0xf1: {  	s26 =	sadd.s32 s0, s1;
	[sflag:s15] =	ssyncadd.s32 $0xFFFFFC00  }
0xf2: {  	[hbm4b:s26+s2] =	stream.linear.scatter [tilespmem:s19], [sflag:$0x2], $0x400, $0x38;
	[tilespmem:$0x1AC00] =	vst v63  }
0xf3: {  	_ =	swait.ge [sflag:s13], $0x400  }
0xf4: {  	[sflag:s13] =	ssyncset.done $0x0  }
0xf5: {  	s28 =	sadd.s32 s0, s9;
	[sflag:s13] =	ssyncadd.s32 $0xFFFFFC00  }
0xf6: {  	[hbm4b:s28+s2] =	stream.linear.scatter [tilespmem:s20], [sflag:$0x2], $0x400, $0x38;
	[tilespmem:$0x1AC00] =	vst v63  }
0xf7: {  	_ =	swait.ge [sflag:s13], $0x400  }
0xf8: {  	[sflag:s13] =	ssyncset.done $0x0  }
0xf9: {  	s29 =	sadd.s32 s0, s10;
	[sflag:s13] =	ssyncadd.s32 $0xFFFFFC00  }
0xfa: {  	[hbm4b:s29+s2] =	stream.linear.scatter [tilespmem:s21], [sflag:$0x2], $0x400, $0x38;
	[tilespmem:$0x1AC00] =	vst v63  }
0xfb: {  	_ =	swait.ge [sflag:s13], $0x400  }
0xfc: {  	s30 =	rddreg [dreg:$0x6]  }
0xfd: {  	s31 =	rddreg [dreg:$0x4];
	s3 =	sadd.s32 $0x1, s30  }
0xfe: {  	p0 =	sne.s32 s3, s31  }
.Ltmp11:
0xff: {  	_ = 	snop;
	(pc) =	sbr.rel @p0 .LBB2_1-.Ltmp11, $3  }
0x100: {  	_ =	sdelay $0x1  }
0x101: {  	[sflag:s13] =	ssyncset.done $0x0  }
0x102: {  	[sflag:s13] =	ssyncadd.s32 $0xFFFFFC00  }
0x103: {  	_ =	sfence.sel $0x180000  }
0x104: {  	[bflag:$0x0] =	sbarrier.arrive $0xFFFF  }
0x105: {  	_ =	strace $0x90000047  }
0x106: {  	s0 =	stileid.u32;
	[bflag:$0x2] =	sbarrier.arrive $0xFFFF  }
0x107: {  	p0 =	sne.s32 s0, $0x0;
	s0 =	rddreg [dreg:$0x2]  }
0x108: {  	s0 =	sadd.s32 @!p0 $0x100000, s0  }
0x109: {  	[sflag:s0] =	ssyncadd.tile.s32 @!p0 $0x1;
	_ =	shalt  }
.Lfunc_end2:
_tile_overlayer_lowered:
.L_overlay_start_2:
0x10a: {  	(tag) =	ssettag $0x2  }
0x10b: {  	s0 =	rddreg [dreg:$0x0];
	s2 =	stileid.u32  }
0x10c: {  	s1 =	rddreg [dreg:$0x1];
	p0 =	sne.s32 s2, $0x0  }
0x10d: {  	s3 =	rddreg [dreg:$0x2];
	[bflag:$0x3] =	sbarrier.arrive $0xFFFF;
	s2 =	simm.s32 @!p0 $0x1C02  }
0x10e: {  	[timem:s3], [sflag:s2] =	dma.local @!p0 [hbm:s0], s1  }
0x10f: {  	s0 =	simm.s32 @!p0 $0x2  }
0x110: {  	_ =	swait.ge @!p0 [sflag:s0], s1  }
0x111: {  	s1 =	ssub.s32 @!p0 $0x0, s1;
	[sflag:s0] =	ssyncset.done @!p0 $0x0  }
0x112: {  	[sflag:s0] =	ssyncadd.s32 @!p0 s1  }
0x113: {  	[bflag:$0x3] =	sbarrier.arrive $0xFFFF  }
0x114: {  	_ =	shalt  }

</sc_bundles>
